<compile_context>
chip_gen: v7x
topology: tpu7x:2x2x1
jax: 0.10.2.dev20260603
libtpu: 0.0.44.dev20260713+nightly
codegen_flags: <defaults>
</compile_context>

<pallas_src>
import functools

import numpy as np
import jax
import jax.numpy as jnp
from jax import lax
from jax.experimental import pallas as pl
from jax.experimental.pallas import tpu as pltpu
from jax.experimental.pallas import tpu_sc as plsc

_N_TABLES = 26
_VOCAB = 100000
_EMB = 32
_BATCH = 4096
_NI = _N_TABLES + 1
_PAIRS = (_NI * (_NI - 1)) // 2

_NC = 2
_NS = 16
_TPC = _N_TABLES // _NC
_COLS = _BATCH // _NS
_HL = 16

_RCHUNK = 100352
_NJ = 1
_RPAD = _NJ * _RCHUNK
_SPAN = _RPAD // _NS

_BLK = 512
_GRID = _BATCH // _BLK


@functools.cache
def _sc_hist_fn():
    mesh = plsc.VectorSubcoreMesh(core_axis_name="c", subcore_axis_name="s")
    return functools.partial(
        pl.kernel,
        out_type=jax.ShapeDtypeStruct((_N_TABLES * _RPAD,), jnp.float32),
        mesh=mesh,
        scratch_types=[
            pltpu.VMEM((_TPC, 2, _COLS // 2), jnp.int32),
            pltpu.VMEM((_COLS // 2,), jnp.float32),
            pltpu.VMEM((_SPAN,), jnp.float32),
            pltpu.VMEM_SHARED((_TPC * _RPAD,), jnp.float32),
            pltpu.SemaphoreType.DMA,
        ],
    )(_sc_hist_body)


def _sc_hist_body(idx_hbm, cnt_hbm, idx_v, ones_v, zero_v, hist_sh, sem):
    c = lax.axis_index("c")
    s = lax.axis_index("s")

    idx_dma = pltpu.async_copy(
        idx_hbm.at[pl.ds(c * _TPC, _TPC), pl.ds(s * 2, 2)], idx_v, sem)

    def fill(r, _):
        zero_v[pl.ds(r * _HL, _HL)] = jnp.zeros((_HL,), jnp.float32)
        return 0

    lax.fori_loop(0, _SPAN // _HL, fill, 0)
    for r in range(_COLS // 2 // _HL):
        ones_v[pl.ds(r * _HL, _HL)] = jnp.ones((_HL,), jnp.float32)

    zs = [pltpu.async_copy(zero_v, hist_sh.at[pl.ds(j * _RPAD + s * _SPAN, _SPAN)], sem)
          for j in range(_TPC)]
    idx_dma.wait()
    for h in zs:
        h.wait()
    plsc.subcore_barrier()

    scs = [pltpu.async_copy(ones_v, hist_sh.at[idx_v.at[j, h]], sem, add=True)
           for j in range(_TPC) for h in range(2)]
    for h in scs:
        h.wait()
    plsc.subcore_barrier()

    ws = [pltpu.async_copy(
        hist_sh.at[pl.ds(j * _RPAD + s * _SPAN, _SPAN)],
        cnt_hbm.at[pl.ds((c * _TPC + j) * _RPAD + s * _SPAN, _SPAN)], sem)
        for j in range(_TPC)]
    for h in ws:
        h.wait()


def _sweep_body(tab_ref, cnt_ref, out_ref):
    k = pl.program_id(0)
    lane = lax.broadcasted_iota(jnp.int32, (_EMB, _RCHUNK), 1)
    tb = jnp.where(lane < _VOCAB, tab_ref[0], 0.0)
    part = lax.dot_general(cnt_ref[0], tb,
                           dimension_numbers=(((1,), (1,)), ((), ())),
                           preferred_element_type=jnp.float32)
    out_ref[pl.ds(k, 1), :] = part


def _sweep_specs():
    return dict(
        grid=(_N_TABLES,),
        in_specs=[
            pl.BlockSpec((1, _EMB, _RCHUNK), lambda k: (k, 0, 0)),
            pl.BlockSpec((1, 1, _RCHUNK), lambda k: (k, 0, 0)),
        ],
        out_specs=pl.BlockSpec((_N_TABLES, _EMB), lambda k: (0, 0)),
        out_shape=jax.ShapeDtypeStruct((_N_TABLES, _EMB), jnp.float32),
    )


def _mmt(a, w):
    return lax.dot_general(a, w, dimension_numbers=(((1,), (1,)), ((), ())),
                           preferred_element_type=jnp.float32)


def _bot_body(x_ref, w1b_ref, b1b_ref, w2b_ref, b2b_ref, w3b_ref, b3b_ref,
              w4b_ref, b4b_ref, out_ref):
    h = jnp.maximum(_mmt(x_ref[...], w1b_ref[...]) + b1b_ref[...], 0.0)
    h = jnp.maximum(_mmt(h, w2b_ref[...]) + b2b_ref[...], 0.0)
    h = jnp.maximum(_mmt(h, w3b_ref[...]) + b3b_ref[...], 0.0)
    out_ref[...] = jnp.maximum(_mmt(h, w4b_ref[...]) + b4b_ref[...], 0.0)


def _bot_specs():
    full = lambda shape: pl.BlockSpec(shape, lambda i: (0,) * len(shape))
    return dict(
        grid=(_GRID,),
        in_specs=[
            pl.BlockSpec((_BLK, 13), lambda i: (i, 0)),
            full((512, 13)), full((1, 512)),
            full((256, 512)), full((1, 256)),
            full((64, 256)), full((1, 64)),
            full((32, 64)), full((1, 32)),
        ],
        out_specs=pl.BlockSpec((_BLK, _EMB), lambda i: (i, 0)),
        out_shape=jax.ShapeDtypeStruct((_BATCH, _EMB), jnp.float32),
    )


def _top_body(d_ref, s_ref,
              l0_ref, l1_ref, j0_ref, j1_ref,
              w1t_ref, b1t_ref, w2t_ref, b2t_ref, w3t_ref, b3t_ref,
              out_ref):
    f32 = jnp.float32
    d = d_ref[...]
    s = s_ref[...]
    w1t = w1t_ref[...]
    drow = d[_BLK - 1:_BLK, :]
    lv = jnp.dot(l0_ref[...], drow, preferred_element_type=f32) \
        + jnp.dot(l1_ref[...], s, preferred_element_type=f32)
    jv = jnp.dot(j0_ref[...], drow, preferred_element_type=f32) \
        + jnp.dot(j1_ref[...], s, preferred_element_type=f32)
    zfull = jnp.sum(lv * jv, axis=1, keepdims=True)
    zrow = lax.dot_general(zfull, w1t,
                           dimension_numbers=(((0,), (1,)), ((), ())),
                           preferred_element_type=f32)

    rows = lax.broadcasted_iota(jnp.int32, (_BLK, 1), 0)
    is_last = pl.program_id(0) == _GRID - 1
    sel = jnp.where((rows == _BLK - 1) & is_last, 1.0, 0.0)

    y = jnp.maximum(_mmt(d, w1t[:, :_EMB]) + b1t_ref[...] + sel * zrow, 0.0)
    y = jnp.maximum(_mmt(y, w2t_ref[...]) + b2t_ref[...], 0.0)
    t = lax.dot_general(w3t_ref[...], y,
                        dimension_numbers=(((1,), (1,)), ((), ())),
                        preferred_element_type=f32) + b3t_ref[...]
    out_ref[...] = 1.0 / (1.0 + jnp.exp(-t))


def _pair_select():
    nt = 32 + _PAIRS
    li = np.array([i for i in range(_NI) for j in range(i)])
    lj = np.array([j for i in range(_NI) for j in range(i)])
    L = np.zeros((nt, _NI), np.float32)
    J = np.zeros((nt, _NI), np.float32)
    L[32 + np.arange(_PAIRS), li] = 1.0
    J[32 + np.arange(_PAIRS), lj] = 1.0
    return L[:, :1], L[:, 1:], J[:, :1], J[:, 1:]


_L0, _L1, _J0, _J1 = _pair_select()


def _top_specs():
    full = lambda shape: pl.BlockSpec(shape, lambda i: (0,) * len(shape))
    return dict(
        grid=(_GRID,),
        in_specs=[
            pl.BlockSpec((_BLK, _EMB), lambda i: (i, 0)),
            full((_N_TABLES, _EMB)),
            full((32 + _PAIRS, 1)), full((32 + _PAIRS, _N_TABLES)),
            full((32 + _PAIRS, 1)), full((32 + _PAIRS, _N_TABLES)),
            full((512, 32 + _PAIRS)), full((1, 512)),
            full((256, 512)), full((1, 256)),
            full((1, 256)), full((1, 1)),
        ],
        out_specs=pl.BlockSpec((1, _BLK), lambda i: (0, i)),
        out_shape=jax.ShapeDtypeStruct((1, _BATCH), jnp.float32),
    )


def kernel(dense_x, sparse_offset, sparse_index, emb_tables,
           bot_Ws, bot_bs, top_Ws, top_bs):
    del sparse_offset

    offs = (jnp.arange(_N_TABLES, dtype=jnp.int32) % _TPC) * _RPAD
    sidx = (sparse_index + offs[:, None]).reshape(_N_TABLES, _NS * 2, _COLS // 2)
    counts = _sc_hist_fn()(sidx)

    tab_t = jnp.transpose(emb_tables, (0, 2, 1))
    s_sum = pl.pallas_call(_sweep_body, **_sweep_specs())(
        tab_t, counts.reshape(_N_TABLES, 1, _RPAD))

    b1b, b2b, b3b, b4b = (b[None, :] for b in bot_bs)
    w1t, w2t, w3t = top_Ws
    b1t, b2t, b3t = (b[None, :] for b in top_bs)

    d_out = pl.pallas_call(_bot_body, **_bot_specs())(
        dense_x, bot_Ws[0], b1b, bot_Ws[1], b2b, bot_Ws[2], b3b, bot_Ws[3], b4b)

    args = (
        d_out, s_sum,
        jnp.asarray(_L0), jnp.asarray(_L1), jnp.asarray(_J0), jnp.asarray(_J1),
        w1t, b1t,
        w2t, b2t, w3t, b3t,
    )
    p_row = pl.pallas_call(_top_body, **_top_specs())(*args)
    return p_row.reshape(_BATCH, 1)

# --- scband reference (transcript-rebuilt; emitter-appended) ---
"""Pipeline reference for scband-dlrm-net-90503550861497 (READ-ONLY COPY).

The authoritative reference and input builder live on the scoring server;
editing this copy changes nothing except your own understanding.
"""

import jax, jax.numpy as jnp
import numpy as np

N_TABLES = 26
VOCAB = 100000
EMB = 32
BATCH = 4096
BOT = [13, 512, 256, 64, 32]
TOP = [383, 512, 256, 1]


def _mlp_params(key, sizes):
    Ws, bs = [], []
    for i in range(len(sizes) - 1):
        k1, k2, key = jax.random.split(key, 3)
        std_w = float(np.sqrt(2.0 / (sizes[i] + sizes[i + 1])))
        std_b = float(np.sqrt(1.0 / sizes[i + 1]))
        Ws.append(std_w * jax.random.normal(k1, (sizes[i + 1], sizes[i]), dtype=jnp.float32))
        bs.append(std_b * jax.random.normal(k2, (sizes[i + 1],), dtype=jnp.float32))
    return Ws, bs


def setup_inputs(seed: int = 0):
    key = jax.random.key(seed)
    k0, k1, k2, k3, k4 = jax.random.split(key, 5)
    a = float(np.sqrt(1.0 / VOCAB))
    inp = {}
    inp["dense_x"] = jax.random.normal(k0, (BATCH, BOT[0]), dtype=jnp.float32)
    inp["sparse_offset"] = jnp.zeros((N_TABLES, BATCH), dtype=jnp.int32)
    inp["sparse_index"] = jax.random.randint(k1, (N_TABLES, BATCH), 0, VOCAB, dtype=jnp.int32)
    inp["emb_tables"] = jax.random.uniform(k2, (N_TABLES, VOCAB, EMB), dtype=jnp.float32, minval=-a, maxval=a)
    bw, bb = _mlp_params(k3, BOT)
    tw, tb = _mlp_params(k4, TOP)
    inp["bot_Ws"], inp["bot_bs"] = bw, bb
    inp["top_Ws"], inp["top_bs"] = tw, tb
    return inp


def _mlp(x, Ws, bs, sigmoid_idx):
    # mirrors create_mlp: Linear then Sigmoid if i == sigmoid_idx else ReLU
    for i in range(len(Ws)):
        x = x @ Ws[i].T + bs[i]
        x = jax.nn.sigmoid(x) if i == sigmoid_idx else jax.nn.relu(x)
    return x


def _emb_bag_sum(table, idx, offsets, n_bags):
    # nn.EmbeddingBag(mode='sum'): bag j = sum(table[idx[offsets[j]:offsets[j+1]]])
    seg = jnp.searchsorted(offsets, jnp.arange(idx.shape[0]), side='right') - 1
    return jax.ops.segment_sum(table[idx], seg, num_segments=n_bags)


def _forward(dense_x, sparse_offset, sparse_index, emb_tables, bot_Ws, bot_bs, top_Ws, top_bs):
    B = dense_x.shape[0]
    dense_out = _mlp(dense_x, bot_Ws, bot_bs, -1)  # sigmoid_bottom_index=-1 -> all ReLU
    ly = [_emb_bag_sum(emb_tables[k], sparse_index[k], sparse_offset[k], B) for k in range(N_TABLES)]
    T = jnp.concatenate([dense_out] + ly, axis=1).reshape(B, N_TABLES + 1, EMB)
    Z = jnp.einsum('bik,bjk->bij', T, T)  # bmm(T, T^T)
    ni = N_TABLES + 1
    li = np.array([i for i in range(ni) for j in range(i)])  # offset=0 (itself=False)
    lj = np.array([j for i in range(ni) for j in range(i)])
    Zflat = Z[:, li, lj]
    R = jnp.concatenate([dense_out, Zflat], axis=1)
    p = _mlp(R, top_Ws, top_bs, len(top_Ws) - 1)  # sigmoid_top_index=2 (last layer)
    return p  # loss_threshold=0.0 -> no clamp


def reference(dense_x, sparse_offset, sparse_index, emb_tables, bot_Ws, bot_bs, top_Ws, top_bs):
    return _forward(dense_x, sparse_offset, sparse_index, emb_tables, bot_Ws, bot_bs, top_Ws, top_bs)

if __name__ == "__main__":
    import jax
    _d = setup_inputs()
    print(jax.jit(kernel)(*tuple(_d.values())))

</pallas_src>

<mosaic_0001>
#map = affine_map<(d0, d1) -> (0, 0, 0)>
#map1 = affine_map<(d0, d1) -> (0)>
module attributes {stable_mosaic.version = 14 : i64} {
  func.func @_sc_hist_body(%arg0: i32, %arg1: i32, %arg2: memref<26x32x128xi32, #tpu.memory_space<hbm>>, %arg3: memref<2609152xf32, #tpu.memory_space<hbm>>, %arg4: memref<13x2x128xi32, #tpu.memory_space<vmem>>, %arg5: memref<128xf32, #tpu.memory_space<vmem>>, %arg6: memref<6272xf32, #tpu.memory_space<vmem>>, %arg7: memref<1304576xf32, #tpu.memory_space<vmem_shared>>, %arg8: memref<!tpu.dma_semaphore, #tpu.memory_space<semaphore_mem>>) attributes {dimension_semantics = [#tpu.dimension_semantics<core_parallel>, #tpu.dimension_semantics<subcore_parallel>], iteration_bounds = array<i64: 2, 16>, scalar_prefetch = 0 : i64, scratch_operands = 5 : i64, tpu.core_type = #tpu.core_type<sc_vector_subcore>, window_params = [{transform_indices = #map}, {transform_indices = #map1}]} {
    %mul3A = arith.constant 13 : i32
    %mul3A_0 = arith.muli %arg0, %mul3A : i32
    %mul3A_1 = arith.constant 2 : i32
    %mul3A_2 = arith.muli %arg1, %mul3A_1 : i32
    %dma_start3A = arith.constant 0 : i32
    %dma_start3A_3 = tpu.memref_slice %arg2[%mul3A_0, %mul3A_2, %dma_start3A] : memref<26x32x128xi32, #tpu.memory_space<hbm>> -> memref<13x2x128xi32, #tpu.memory_space<hbm>>
    %dma_start3A_4 = arith.constant 0 : i32
    %dma_start3A_5 = tpu.memref_slice %arg2[%mul3A_0, %mul3A_2, %dma_start3A_4] : memref<26x32x128xi32, #tpu.memory_space<hbm>> -> memref<13x2x128xi32, #tpu.memory_space<hbm>>
    tpu.enqueue_dma source(%dma_start3A_5 : memref<13x2x128xi32, #tpu.memory_space<hbm>>) target(%arg4 : memref<13x2x128xi32, #tpu.memory_space<vmem>>) target_semaphore(%arg8 : memref<!tpu.dma_semaphore, #tpu.memory_space<semaphore_mem>>)
    %scan3A = arith.constant 0 : i32
    %scan3A_6 = arith.constant 0 : i32
    %scan3A_7 = arith.constant 392 : i32
    %scan3A_8 = arith.addi %scan3A_6, %scan3A_7 : i32
    %scan3A_9 = arith.constant 1 : i32
    %scan3A_10 = scf.for %scan3A_750 = %scan3A_6 to %scan3A_8 step %scan3A_9 iter_args(%scan3A_751 = %scan3A) -> (i32)  : i32 {
      %broadcast_in_dim3A_752 = arith.constant 0.000000e+00 : f32
      %broadcast_in_dim3A_753 = vector.broadcast %broadcast_in_dim3A_752 : f32 to vector<16xf32>
      %mul3A_754 = arith.constant 16 : i32
      %mul3A_755 = arith.muli %scan3A_750, %mul3A_754 : i32
      %swap3A_756 = arith.index_cast %mul3A_755 : i32 to index
      %swap3A_757 = tpu.vector_load %arg6[%swap3A_756] {strides = array<i32>} : memref<6272xf32, #tpu.memory_space<vmem>>, vector<16xf32>,
      %swap3A_758 = vector.shape_cast %swap3A_757 : vector<16xf32> to vector<16xf32>
      %swap3A_759 = vector.shape_cast %broadcast_in_dim3A_753 : vector<16xf32> to vector<16xf32>
      tpu.vector_store %arg6[%swap3A_756], %swap3A_759 {strides = array<i32>} : memref<6272xf32, #tpu.memory_space<vmem>>, vector<16xf32>,
      %scan3A_760 = arith.constant 0 : i32
      scf.yield %scan3A_760 : i32
    }
    %scan3A_11 = arith.constant 392 : i32
    %broadcast_in_dim3A = arith.constant 1.000000e+00 : f32
    %broadcast_in_dim3A_12 = vector.broadcast %broadcast_in_dim3A : f32 to vector<16xf32>
    %swap3A = arith.constant 0 : index
    %swap3A_13 = tpu.vector_load %arg5[%swap3A] {strides = array<i32>} : memref<128xf32, #tpu.memory_space<vmem>>, vector<16xf32>,
    %swap3A_14 = vector.shape_cast %swap3A_13 : vector<16xf32> to vector<16xf32>
    %swap3A_15 = vector.shape_cast %broadcast_in_dim3A_12 : vector<16xf32> to vector<16xf32>
    tpu.vector_store %arg5[%swap3A], %swap3A_15 {strides = array<i32>} : memref<128xf32, #tpu.memory_space<vmem>>, vector<16xf32>,
    %broadcast_in_dim3A_16 = arith.constant 1.000000e+00 : f32
    %broadcast_in_dim3A_17 = vector.broadcast %broadcast_in_dim3A_16 : f32 to vector<16xf32>
    %swap3A_18 = arith.constant 16 : index
    %swap3A_19 = tpu.vector_load %arg5[%swap3A_18] {strides = array<i32>} : memref<128xf32, #tpu.memory_space<vmem>>, vector<16xf32>,
    %swap3A_20 = vector.shape_cast %swap3A_19 : vector<16xf32> to vector<16xf32>
    %swap3A_21 = vector.shape_cast %broadcast_in_dim3A_17 : vector<16xf32> to vector<16xf32>
    tpu.vector_store %arg5[%swap3A_18], %swap3A_21 {strides = array<i32>} : memref<128xf32, #tpu.memory_space<vmem>>, vector<16xf32>,
    %broadcast_in_dim3A_22 = arith.constant 1.000000e+00 : f32
    %broadcast_in_dim3A_23 = vector.broadcast %broadcast_in_dim3A_22 : f32 to vector<16xf32>
    %swap3A_24 = arith.constant 32 : index
    %swap3A_25 = tpu.vector_load %arg5[%swap3A_24] {strides = array<i32>} : memref<128xf32, #tpu.memory_space<vmem>>, vector<16xf32>,
    %swap3A_26 = vector.shape_cast %swap3A_25 : vector<16xf32> to vector<16xf32>
    %swap3A_27 = vector.shape_cast %broadcast_in_dim3A_23 : vector<16xf32> to vector<16xf32>
    tpu.vector_store %arg5[%swap3A_24], %swap3A_27 {strides = array<i32>} : memref<128xf32, #tpu.memory_space<vmem>>, vector<16xf32>,
    %broadcast_in_dim3A_28 = arith.constant 1.000000e+00 : f32
    %broadcast_in_dim3A_29 = vector.broadcast %broadcast_in_dim3A_28 : f32 to vector<16xf32>
    %swap3A_30 = arith.constant 48 : index
    %swap3A_31 = tpu.vector_load %arg5[%swap3A_30] {strides = array<i32>} : memref<128xf32, #tpu.memory_space<vmem>>, vector<16xf32>,
    %swap3A_32 = vector.shape_cast %swap3A_31 : vector<16xf32> to vector<16xf32>
    %swap3A_33 = vector.shape_cast %broadcast_in_dim3A_29 : vector<16xf32> to vector<16xf32>
    tpu.vector_store %arg5[%swap3A_30], %swap3A_33 {strides = array<i32>} : memref<128xf32, #tpu.memory_space<vmem>>, vector<16xf32>,
    %broadcast_in_dim3A_34 = arith.constant 1.000000e+00 : f32
    %broadcast_in_dim3A_35 = vector.broadcast %broadcast_in_dim3A_34 : f32 to vector<16xf32>
    %swap3A_36 = arith.constant 64 : index
    %swap3A_37 = tpu.vector_load %arg5[%swap3A_36] {strides = array<i32>} : memref<128xf32, #tpu.memory_space<vmem>>, vector<16xf32>,
    %swap3A_38 = vector.shape_cast %swap3A_37 : vector<16xf32> to vector<16xf32>
    %swap3A_39 = vector.shape_cast %broadcast_in_dim3A_35 : vector<16xf32> to vector<16xf32>
    tpu.vector_store %arg5[%swap3A_36], %swap3A_39 {strides = array<i32>} : memref<128xf32, #tpu.memory_space<vmem>>, vector<16xf32>,
    %broadcast_in_dim3A_40 = arith.constant 1.000000e+00 : f32
    %broadcast_in_dim3A_41 = vector.broadcast %broadcast_in_dim3A_40 : f32 to vector<16xf32>
    %swap3A_42 = arith.constant 80 : index
    %swap3A_43 = tpu.vector_load %arg5[%swap3A_42] {strides = array<i32>} : memref<128xf32, #tpu.memory_space<vmem>>, vector<16xf32>,
    %swap3A_44 = vector.shape_cast %swap3A_43 : vector<16xf32> to vector<16xf32>
    %swap3A_45 = vector.shape_cast %broadcast_in_dim3A_41 : vector<16xf32> to vector<16xf32>
    tpu.vector_store %arg5[%swap3A_42], %swap3A_45 {strides = array<i32>} : memref<128xf32, #tpu.memory_space<vmem>>, vector<16xf32>,
    %broadcast_in_dim3A_46 = arith.constant 1.000000e+00 : f32
    %broadcast_in_dim3A_47 = vector.broadcast %broadcast_in_dim3A_46 : f32 to vector<16xf32>
    %swap3A_48 = arith.constant 96 : index
    %swap3A_49 = tpu.vector_load %arg5[%swap3A_48] {strides = array<i32>} : memref<128xf32, #tpu.memory_space<vmem>>, vector<16xf32>,
    %swap3A_50 = vector.shape_cast %swap3A_49 : vector<16xf32> to vector<16xf32>
    %swap3A_51 = vector.shape_cast %broadcast_in_dim3A_47 : vector<16xf32> to vector<16xf32>
    tpu.vector_store %arg5[%swap3A_48], %swap3A_51 {strides = array<i32>} : memref<128xf32, #tpu.memory_space<vmem>>, vector<16xf32>,
    %broadcast_in_dim3A_52 = arith.constant 1.000000e+00 : f32
    %broadcast_in_dim3A_53 = vector.broadcast %broadcast_in_dim3A_52 : f32 to vector<16xf32>
    %swap3A_54 = arith.constant 112 : index
    %swap3A_55 = tpu.vector_load %arg5[%swap3A_54] {strides = array<i32>} : memref<128xf32, #tpu.memory_space<vmem>>, vector<16xf32>,
    %swap3A_56 = vector.shape_cast %swap3A_55 : vector<16xf32> to vector<16xf32>
    %swap3A_57 = vector.shape_cast %broadcast_in_dim3A_53 : vector<16xf32> to vector<16xf32>
    tpu.vector_store %arg5[%swap3A_54], %swap3A_57 {strides = array<i32>} : memref<128xf32, #tpu.memory_space<vmem>>, vector<16xf32>,
    %mul3A_58 = arith.constant 6272 : i32
    %mul3A_59 = arith.muli %arg1, %mul3A_58 : i32
    %add3A = arith.constant 0 : i32
    %add3A_60 = arith.addi %add3A, %mul3A_59 : i32
    %dma_start3A_61 = tpu.memref_slice %arg7[%add3A_60] : memref<1304576xf32, #tpu.memory_space<vmem_shared>> -> memref<6272xf32, #tpu.memory_space<vmem_shared>>
    %dma_start3A_62 = tpu.memref_slice %arg7[%add3A_60] : memref<1304576xf32, #tpu.memory_space<vmem_shared>> -> memref<6272xf32, #tpu.memory_space<vmem_shared>>
    tpu.enqueue_dma source(%arg6 : memref<6272xf32, #tpu.memory_space<vmem>>) target(%dma_start3A_62 : memref<6272xf32, #tpu.memory_space<vmem_shared>>) target_semaphore(%arg8 : memref<!tpu.dma_semaphore, #tpu.memory_space<semaphore_mem>>)
    %mul3A_63 = arith.constant 6272 : i32
    %mul3A_64 = arith.muli %arg1, %mul3A_63 : i32
    %add3A_65 = arith.constant 100352 : i32
    %add3A_66 = arith.addi %add3A_65, %mul3A_64 : i32
    %dma_start3A_67 = tpu.memref_slice %arg7[%add3A_66] : memref<1304576xf32, #tpu.memory_space<vmem_shared>> -> memref<6272xf32, #tpu.memory_space<vmem_shared>>
    %dma_start3A_68 = tpu.memref_slice %arg7[%add3A_66] : memref<1304576xf32, #tpu.memory_space<vmem_shared>> -> memref<6272xf32, #tpu.memory_space<vmem_shared>>
    tpu.enqueue_dma source(%arg6 : memref<6272xf32, #tpu.memory_space<vmem>>) target(%dma_start3A_68 : memref<6272xf32, #tpu.memory_space<vmem_shared>>) target_semaphore(%arg8 : memref<!tpu.dma_semaphore, #tpu.memory_space<semaphore_mem>>)
    %mul3A_69 = arith.constant 6272 : i32
    %mul3A_70 = arith.muli %arg1, %mul3A_69 : i32
    %add3A_71 = arith.constant 200704 : i32
    %add3A_72 = arith.addi %add3A_71, %mul3A_70 : i32
    %dma_start3A_73 = tpu.memref_slice %arg7[%add3A_72] : memref<1304576xf32, #tpu.memory_space<vmem_shared>> -> memref<6272xf32, #tpu.memory_space<vmem_shared>>
    %dma_start3A_74 = tpu.memref_slice %arg7[%add3A_72] : memref<1304576xf32, #tpu.memory_space<vmem_shared>> -> memref<6272xf32, #tpu.memory_space<vmem_shared>>
    tpu.enqueue_dma source(%arg6 : memref<6272xf32, #tpu.memory_space<vmem>>) target(%dma_start3A_74 : memref<6272xf32, #tpu.memory_space<vmem_shared>>) target_semaphore(%arg8 : memref<!tpu.dma_semaphore, #tpu.memory_space<semaphore_mem>>)
    %mul3A_75 = arith.constant 6272 : i32
    %mul3A_76 = arith.muli %arg1, %mul3A_75 : i32
    %add3A_77 = arith.constant 301056 : i32
    %add3A_78 = arith.addi %add3A_77, %mul3A_76 : i32
    %dma_start3A_79 = tpu.memref_slice %arg7[%add3A_78] : memref<1304576xf32, #tpu.memory_space<vmem_shared>> -> memref<6272xf32, #tpu.memory_space<vmem_shared>>
    %dma_start3A_80 = tpu.memref_slice %arg7[%add3A_78] : memref<1304576xf32, #tpu.memory_space<vmem_shared>> -> memref<6272xf32, #tpu.memory_space<vmem_shared>>
    tpu.enqueue_dma source(%arg6 : memref<6272xf32, #tpu.memory_space<vmem>>) target(%dma_start3A_80 : memref<6272xf32, #tpu.memory_space<vmem_shared>>) target_semaphore(%arg8 : memref<!tpu.dma_semaphore, #tpu.memory_space<semaphore_mem>>)
    %mul3A_81 = arith.constant 6272 : i32
    %mul3A_82 = arith.muli %arg1, %mul3A_81 : i32
    %add3A_83 = arith.constant 401408 : i32
    %add3A_84 = arith.addi %add3A_83, %mul3A_82 : i32
    %dma_start3A_85 = tpu.memref_slice %arg7[%add3A_84] : memref<1304576xf32, #tpu.memory_space<vmem_shared>> -> memref<6272xf32, #tpu.memory_space<vmem_shared>>
    %dma_start3A_86 = tpu.memref_slice %arg7[%add3A_84] : memref<1304576xf32, #tpu.memory_space<vmem_shared>> -> memref<6272xf32, #tpu.memory_space<vmem_shared>>
    tpu.enqueue_dma source(%arg6 : memref<6272xf32, #tpu.memory_space<vmem>>) target(%dma_start3A_86 : memref<6272xf32, #tpu.memory_space<vmem_shared>>) target_semaphore(%arg8 : memref<!tpu.dma_semaphore, #tpu.memory_space<semaphore_mem>>)
    %mul3A_87 = arith.constant 6272 : i32
    %mul3A_88 = arith.muli %arg1, %mul3A_87 : i32
    %add3A_89 = arith.constant 501760 : i32
    %add3A_90 = arith.addi %add3A_89, %mul3A_88 : i32
    %dma_start3A_91 = tpu.memref_slice %arg7[%add3A_90] : memref<1304576xf32, #tpu.memory_space<vmem_shared>> -> memref<6272xf32, #tpu.memory_space<vmem_shared>>
    %dma_start3A_92 = tpu.memref_slice %arg7[%add3A_90] : memref<1304576xf32, #tpu.memory_space<vmem_shared>> -> memref<6272xf32, #tpu.memory_space<vmem_shared>>
    tpu.enqueue_dma source(%arg6 : memref<6272xf32, #tpu.memory_space<vmem>>) target(%dma_start3A_92 : memref<6272xf32, #tpu.memory_space<vmem_shared>>) target_semaphore(%arg8 : memref<!tpu.dma_semaphore, #tpu.memory_space<semaphore_mem>>)
    %mul3A_93 = arith.constant 6272 : i32
    %mul3A_94 = arith.muli %arg1, %mul3A_93 : i32
    %add3A_95 = arith.constant 602112 : i32
    %add3A_96 = arith.addi %add3A_95, %mul3A_94 : i32
    %dma_start3A_97 = tpu.memref_slice %arg7[%add3A_96] : memref<1304576xf32, #tpu.memory_space<vmem_shared>> -> memref<6272xf32, #tpu.memory_space<vmem_shared>>
    %dma_start3A_98 = tpu.memref_slice %arg7[%add3A_96] : memref<1304576xf32, #tpu.memory_space<vmem_shared>> -> memref<6272xf32, #tpu.memory_space<vmem_shared>>
    tpu.enqueue_dma source(%arg6 : memref<6272xf32, #tpu.memory_space<vmem>>) target(%dma_start3A_98 : memref<6272xf32, #tpu.memory_space<vmem_shared>>) target_semaphore(%arg8 : memref<!tpu.dma_semaphore, #tpu.memory_space<semaphore_mem>>)
    %mul3A_99 = arith.constant 6272 : i32
    %mul3A_100 = arith.muli %arg1, %mul3A_99 : i32
    %add3A_101 = arith.constant 702464 : i32
    %add3A_102 = arith.addi %add3A_101, %mul3A_100 : i32
    %dma_start3A_103 = tpu.memref_slice %arg7[%add3A_102] : memref<1304576xf32, #tpu.memory_space<vmem_shared>> -> memref<6272xf32, #tpu.memory_space<vmem_shared>>
    %dma_start3A_104 = tpu.memref_slice %arg7[%add3A_102] : memref<1304576xf32, #tpu.memory_space<vmem_shared>> -> memref<6272xf32, #tpu.memory_space<vmem_shared>>
    tpu.enqueue_dma source(%arg6 : memref<6272xf32, #tpu.memory_space<vmem>>) target(%dma_start3A_104 : memref<6272xf32, #tpu.memory_space<vmem_shared>>) target_semaphore(%arg8 : memref<!tpu.dma_semaphore, #tpu.memory_space<semaphore_mem>>)
    %mul3A_105 = arith.constant 6272 : i32
    %mul3A_106 = arith.muli %arg1, %mul3A_105 : i32
    %add3A_107 = arith.constant 802816 : i32
    %add3A_108 = arith.addi %add3A_107, %mul3A_106 : i32
    %dma_start3A_109 = tpu.memref_slice %arg7[%add3A_108] : memref<1304576xf32, #tpu.memory_space<vmem_shared>> -> memref<6272xf32, #tpu.memory_space<vmem_shared>>
    %dma_start3A_110 = tpu.memref_slice %arg7[%add3A_108] : memref<1304576xf32, #tpu.memory_space<vmem_shared>> -> memref<6272xf32, #tpu.memory_space<vmem_shared>>
    tpu.enqueue_dma source(%arg6 : memref<6272xf32, #tpu.memory_space<vmem>>) target(%dma_start3A_110 : memref<6272xf32, #tpu.memory_space<vmem_shared>>) target_semaphore(%arg8 : memref<!tpu.dma_semaphore, #tpu.memory_space<semaphore_mem>>)
    %mul3A_111 = arith.constant 6272 : i32
    %mul3A_112 = arith.muli %arg1, %mul3A_111 : i32
    %add3A_113 = arith.constant 903168 : i32
    %add3A_114 = arith.addi %add3A_113, %mul3A_112 : i32
    %dma_start3A_115 = tpu.memref_slice %arg7[%add3A_114] : memref<1304576xf32, #tpu.memory_space<vmem_shared>> -> memref<6272xf32, #tpu.memory_space<vmem_shared>>
    %dma_start3A_116 = tpu.memref_slice %arg7[%add3A_114] : memref<1304576xf32, #tpu.memory_space<vmem_shared>> -> memref<6272xf32, #tpu.memory_space<vmem_shared>>
    tpu.enqueue_dma source(%arg6 : memref<6272xf32, #tpu.memory_space<vmem>>) target(%dma_start3A_116 : memref<6272xf32, #tpu.memory_space<vmem_shared>>) target_semaphore(%arg8 : memref<!tpu.dma_semaphore, #tpu.memory_space<semaphore_mem>>)
    %mul3A_117 = arith.constant 6272 : i32
    %mul3A_118 = arith.muli %arg1, %mul3A_117 : i32
    %add3A_119 = arith.constant 1003520 : i32
    %add3A_120 = arith.addi %add3A_119, %mul3A_118 : i32
    %dma_start3A_121 = tpu.memref_slice %arg7[%add3A_120] : memref<1304576xf32, #tpu.memory_space<vmem_shared>> -> memref<6272xf32, #tpu.memory_space<vmem_shared>>
    %dma_start3A_122 = tpu.memref_slice %arg7[%add3A_120] : memref<1304576xf32, #tpu.memory_space<vmem_shared>> -> memref<6272xf32, #tpu.memory_space<vmem_shared>>
    tpu.enqueue_dma source(%arg6 : memref<6272xf32, #tpu.memory_space<vmem>>) target(%dma_start3A_122 : memref<6272xf32, #tpu.memory_space<vmem_shared>>) target_semaphore(%arg8 : memref<!tpu.dma_semaphore, #tpu.memory_space<semaphore_mem>>)
    %mul3A_123 = arith.constant 6272 : i32
    %mul3A_124 = arith.muli %arg1, %mul3A_123 : i32
    %add3A_125 = arith.constant 1103872 : i32
    %add3A_126 = arith.addi %add3A_125, %mul3A_124 : i32
    %dma_start3A_127 = tpu.memref_slice %arg7[%add3A_126] : memref<1304576xf32, #tpu.memory_space<vmem_shared>> -> memref<6272xf32, #tpu.memory_space<vmem_shared>>
    %dma_start3A_128 = tpu.memref_slice %arg7[%add3A_126] : memref<1304576xf32, #tpu.memory_space<vmem_shared>> -> memref<6272xf32, #tpu.memory_space<vmem_shared>>
    tpu.enqueue_dma source(%arg6 : memref<6272xf32, #tpu.memory_space<vmem>>) target(%dma_start3A_128 : memref<6272xf32, #tpu.memory_space<vmem_shared>>) target_semaphore(%arg8 : memref<!tpu.dma_semaphore, #tpu.memory_space<semaphore_mem>>)
    %mul3A_129 = arith.constant 6272 : i32
    %mul3A_130 = arith.muli %arg1, %mul3A_129 : i32
    %add3A_131 = arith.constant 1204224 : i32
    %add3A_132 = arith.addi %add3A_131, %mul3A_130 : i32
    %dma_start3A_133 = tpu.memref_slice %arg7[%add3A_132] : memref<1304576xf32, #tpu.memory_space<vmem_shared>> -> memref<6272xf32, #tpu.memory_space<vmem_shared>>
    %dma_start3A_134 = tpu.memref_slice %arg7[%add3A_132] : memref<1304576xf32, #tpu.memory_space<vmem_shared>> -> memref<6272xf32, #tpu.memory_space<vmem_shared>>
    tpu.enqueue_dma source(%arg6 : memref<6272xf32, #tpu.memory_space<vmem>>) target(%dma_start3A_134 : memref<6272xf32, #tpu.memory_space<vmem_shared>>) target_semaphore(%arg8 : memref<!tpu.dma_semaphore, #tpu.memory_space<semaphore_mem>>)
    %dma_wait3A = arith.constant 0 : i32
    %dma_wait3A_135 = tpu.memref_slice %arg2[%mul3A_0, %mul3A_2, %dma_wait3A] : memref<26x32x128xi32, #tpu.memory_space<hbm>> -> memref<13x2x128xi32, #tpu.memory_space<hbm>>
    %dma_wait3A_136 = arith.constant 0 : i32
    %dma_wait3A_137 = tpu.memref_slice %arg2[%mul3A_0, %mul3A_2, %dma_wait3A_136] : memref<26x32x128xi32, #tpu.memory_space<hbm>> -> memref<13x2x128xi32, #tpu.memory_space<hbm>>
    tpu.wait_dma2 semaphore(%arg8 : memref<!tpu.dma_semaphore, #tpu.memory_space<semaphore_mem>>) src(%dma_wait3A_137 : memref<13x2x128xi32, #tpu.memory_space<hbm>>) dst(%arg4 : memref<13x2x128xi32, #tpu.memory_space<vmem>>)
    %dma_wait3A_138 = tpu.memref_slice %arg7[%add3A_60] : memref<1304576xf32, #tpu.memory_space<vmem_shared>> -> memref<6272xf32, #tpu.memory_space<vmem_shared>>
    %dma_wait3A_139 = tpu.memref_slice %arg7[%add3A_60] : memref<1304576xf32, #tpu.memory_space<vmem_shared>> -> memref<6272xf32, #tpu.memory_space<vmem_shared>>
    tpu.wait_dma2 semaphore(%arg8 : memref<!tpu.dma_semaphore, #tpu.memory_space<semaphore_mem>>) src(%arg6 : memref<6272xf32, #tpu.memory_space<vmem>>) dst(%dma_wait3A_139 : memref<6272xf32, #tpu.memory_space<vmem_shared>>)
    %dma_wait3A_140 = tpu.memref_slice %arg7[%add3A_66] : memref<1304576xf32, #tpu.memory_space<vmem_shared>> -> memref<6272xf32, #tpu.memory_space<vmem_shared>>
    %dma_wait3A_141 = tpu.memref_slice %arg7[%add3A_66] : memref<1304576xf32, #tpu.memory_space<vmem_shared>> -> memref<6272xf32, #tpu.memory_space<vmem_shared>>
    tpu.wait_dma2 semaphore(%arg8 : memref<!tpu.dma_semaphore, #tpu.memory_space<semaphore_mem>>) src(%arg6 : memref<6272xf32, #tpu.memory_space<vmem>>) dst(%dma_wait3A_141 : memref<6272xf32, #tpu.memory_space<vmem_shared>>)
    %dma_wait3A_142 = tpu.memref_slice %arg7[%add3A_72] : memref<1304576xf32, #tpu.memory_space<vmem_shared>> -> memref<6272xf32, #tpu.memory_space<vmem_shared>>
    %dma_wait3A_143 = tpu.memref_slice %arg7[%add3A_72] : memref<1304576xf32, #tpu.memory_space<vmem_shared>> -> memref<6272xf32, #tpu.memory_space<vmem_shared>>
    tpu.wait_dma2 semaphore(%arg8 : memref<!tpu.dma_semaphore, #tpu.memory_space<semaphore_mem>>) src(%arg6 : memref<6272xf32, #tpu.memory_space<vmem>>) dst(%dma_wait3A_143 : memref<6272xf32, #tpu.memory_space<vmem_shared>>)
    %dma_wait3A_144 = tpu.memref_slice %arg7[%add3A_78] : memref<1304576xf32, #tpu.memory_space<vmem_shared>> -> memref<6272xf32, #tpu.memory_space<vmem_shared>>
    %dma_wait3A_145 = tpu.memref_slice %arg7[%add3A_78] : memref<1304576xf32, #tpu.memory_space<vmem_shared>> -> memref<6272xf32, #tpu.memory_space<vmem_shared>>
    tpu.wait_dma2 semaphore(%arg8 : memref<!tpu.dma_semaphore, #tpu.memory_space<semaphore_mem>>) src(%arg6 : memref<6272xf32, #tpu.memory_space<vmem>>) dst(%dma_wait3A_145 : memref<6272xf32, #tpu.memory_space<vmem_shared>>)
    %dma_wait3A_146 = tpu.memref_slice %arg7[%add3A_84] : memref<1304576xf32, #tpu.memory_space<vmem_shared>> -> memref<6272xf32, #tpu.memory_space<vmem_shared>>
    %dma_wait3A_147 = tpu.memref_slice %arg7[%add3A_84] : memref<1304576xf32, #tpu.memory_space<vmem_shared>> -> memref<6272xf32, #tpu.memory_space<vmem_shared>>
    tpu.wait_dma2 semaphore(%arg8 : memref<!tpu.dma_semaphore, #tpu.memory_space<semaphore_mem>>) src(%arg6 : memref<6272xf32, #tpu.memory_space<vmem>>) dst(%dma_wait3A_147 : memref<6272xf32, #tpu.memory_space<vmem_shared>>)
    %dma_wait3A_148 = tpu.memref_slice %arg7[%add3A_90] : memref<1304576xf32, #tpu.memory_space<vmem_shared>> -> memref<6272xf32, #tpu.memory_space<vmem_shared>>
    %dma_wait3A_149 = tpu.memref_slice %arg7[%add3A_90] : memref<1304576xf32, #tpu.memory_space<vmem_shared>> -> memref<6272xf32, #tpu.memory_space<vmem_shared>>
    tpu.wait_dma2 semaphore(%arg8 : memref<!tpu.dma_semaphore, #tpu.memory_space<semaphore_mem>>) src(%arg6 : memref<6272xf32, #tpu.memory_space<vmem>>) dst(%dma_wait3A_149 : memref<6272xf32, #tpu.memory_space<vmem_shared>>)
    %dma_wait3A_150 = tpu.memref_slice %arg7[%add3A_96] : memref<1304576xf32, #tpu.memory_space<vmem_shared>> -> memref<6272xf32, #tpu.memory_space<vmem_shared>>
    %dma_wait3A_151 = tpu.memref_slice %arg7[%add3A_96] : memref<1304576xf32, #tpu.memory_space<vmem_shared>> -> memref<6272xf32, #tpu.memory_space<vmem_shared>>
    tpu.wait_dma2 semaphore(%arg8 : memref<!tpu.dma_semaphore, #tpu.memory_space<semaphore_mem>>) src(%arg6 : memref<6272xf32, #tpu.memory_space<vmem>>) dst(%dma_wait3A_151 : memref<6272xf32, #tpu.memory_space<vmem_shared>>)
    %dma_wait3A_152 = tpu.memref_slice %arg7[%add3A_102] : memref<1304576xf32, #tpu.memory_space<vmem_shared>> -> memref<6272xf32, #tpu.memory_space<vmem_shared>>
    %dma_wait3A_153 = tpu.memref_slice %arg7[%add3A_102] : memref<1304576xf32, #tpu.memory_space<vmem_shared>> -> memref<6272xf32, #tpu.memory_space<vmem_shared>>
    tpu.wait_dma2 semaphore(%arg8 : memref<!tpu.dma_semaphore, #tpu.memory_space<semaphore_mem>>) src(%arg6 : memref<6272xf32, #tpu.memory_space<vmem>>) dst(%dma_wait3A_153 : memref<6272xf32, #tpu.memory_space<vmem_shared>>)
    %dma_wait3A_154 = tpu.memref_slice %arg7[%add3A_108] : memref<1304576xf32, #tpu.memory_space<vmem_shared>> -> memref<6272xf32, #tpu.memory_space<vmem_shared>>
    %dma_wait3A_155 = tpu.memref_slice %arg7[%add3A_108] : memref<1304576xf32, #tpu.memory_space<vmem_shared>> -> memref<6272xf32, #tpu.memory_space<vmem_shared>>
    tpu.wait_dma2 semaphore(%arg8 : memref<!tpu.dma_semaphore, #tpu.memory_space<semaphore_mem>>) src(%arg6 : memref<6272xf32, #tpu.memory_space<vmem>>) dst(%dma_wait3A_155 : memref<6272xf32, #tpu.memory_space<vmem_shared>>)
    %dma_wait3A_156 = tpu.memref_slice %arg7[%add3A_114] : memref<1304576xf32, #tpu.memory_space<vmem_shared>> -> memref<6272xf32, #tpu.memory_space<vmem_shared>>
    %dma_wait3A_157 = tpu.memref_slice %arg7[%add3A_114] : memref<1304576xf32, #tpu.memory_space<vmem_shared>> -> memref<6272xf32, #tpu.memory_space<vmem_shared>>
    tpu.wait_dma2 semaphore(%arg8 : memref<!tpu.dma_semaphore, #tpu.memory_space<semaphore_mem>>) src(%arg6 : memref<6272xf32, #tpu.memory_space<vmem>>) dst(%dma_wait3A_157 : memref<6272xf32, #tpu.memory_space<vmem_shared>>)
    %dma_wait3A_158 = tpu.memref_slice %arg7[%add3A_120] : memref<1304576xf32, #tpu.memory_space<vmem_shared>> -> memref<6272xf32, #tpu.memory_space<vmem_shared>>
    %dma_wait3A_159 = tpu.memref_slice %arg7[%add3A_120] : memref<1304576xf32, #tpu.memory_space<vmem_shared>> -> memref<6272xf32, #tpu.memory_space<vmem_shared>>
    tpu.wait_dma2 semaphore(%arg8 : memref<!tpu.dma_semaphore, #tpu.memory_space<semaphore_mem>>) src(%arg6 : memref<6272xf32, #tpu.memory_space<vmem>>) dst(%dma_wait3A_159 : memref<6272xf32, #tpu.memory_space<vmem_shared>>)
    %dma_wait3A_160 = tpu.memref_slice %arg7[%add3A_126] : memref<1304576xf32, #tpu.memory_space<vmem_shared>> -> memref<6272xf32, #tpu.memory_space<vmem_shared>>
    %dma_wait3A_161 = tpu.memref_slice %arg7[%add3A_126] : memref<1304576xf32, #tpu.memory_space<vmem_shared>> -> memref<6272xf32, #tpu.memory_space<vmem_shared>>
    tpu.wait_dma2 semaphore(%arg8 : memref<!tpu.dma_semaphore, #tpu.memory_space<semaphore_mem>>) src(%arg6 : memref<6272xf32, #tpu.memory_space<vmem>>) dst(%dma_wait3A_161 : memref<6272xf32, #tpu.memory_space<vmem_shared>>)
    %dma_wait3A_162 = tpu.memref_slice %arg7[%add3A_132] : memref<1304576xf32, #tpu.memory_space<vmem_shared>> -> memref<6272xf32, #tpu.memory_space<vmem_shared>>
    %dma_wait3A_163 = tpu.memref_slice %arg7[%add3A_132] : memref<1304576xf32, #tpu.memory_space<vmem_shared>> -> memref<6272xf32, #tpu.memory_space<vmem_shared>>
    tpu.wait_dma2 semaphore(%arg8 : memref<!tpu.dma_semaphore, #tpu.memory_space<semaphore_mem>>) src(%arg6 : memref<6272xf32, #tpu.memory_space<vmem>>) dst(%dma_wait3A_163 : memref<6272xf32, #tpu.memory_space<vmem_shared>>)
    %barrier3A = arith.constant 0 : index
    tpu.barrier barrier_id(%barrier3A)
    %dma_start3A_164 = arith.constant 0 : i32
    %dma_start3A_165 = arith.constant 0 : i32
    %dma_start3A_166 = arith.constant 0 : i32
    %dma_start3A_167 = tpu.memref_slice %arg4[%dma_start3A_164, %dma_start3A_165, %dma_start3A_166] : memref<13x2x128xi32, #tpu.memory_space<vmem>> -> memref<1x1x128xi32, #tpu.memory_space<vmem>>
    %dma_start3A_168 = tpu.memref_squeeze %dma_start3A_167 : memref<1x1x128xi32, #tpu.memory_space<vmem>> -> memref<128xi32, #tpu.memory_space<vmem>>
    %dma_start3A_169 = arith.constant 0 : i32
    %dma_start3A_170 = tpu.memref_slice %arg7[%dma_start3A_169] : memref<1304576xf32, #tpu.memory_space<vmem_shared>> -> memref<1304576xf32, #tpu.memory_space<vmem_shared>>
    tpu.enqueue_indirect_dma source(%arg5 : memref<128xf32, #tpu.memory_space<vmem>>) target(%dma_start3A_170 : memref<1304576xf32, #tpu.memory_space<vmem_shared>>) offsets(%dma_start3A_168 : memref<128xi32, #tpu.memory_space<vmem>>) semaphore(%arg8 : memref<!tpu.dma_semaphore, #tpu.memory_space<semaphore_mem>>) {add = true}
    %dma_start3A_171 = arith.constant 0 : i32
    %dma_start3A_172 = arith.constant 1 : i32
    %dma_start3A_173 = arith.constant 0 : i32
    %dma_start3A_174 = tpu.memref_slice %arg4[%dma_start3A_171, %dma_start3A_172, %dma_start3A_173] : memref<13x2x128xi32, #tpu.memory_space<vmem>> -> memref<1x1x128xi32, #tpu.memory_space<vmem>>
    %dma_start3A_175 = tpu.memref_squeeze %dma_start3A_174 : memref<1x1x128xi32, #tpu.memory_space<vmem>> -> memref<128xi32, #tpu.memory_space<vmem>>
    %dma_start3A_176 = arith.constant 0 : i32
    %dma_start3A_177 = tpu.memref_slice %arg7[%dma_start3A_176] : memref<1304576xf32, #tpu.memory_space<vmem_shared>> -> memref<1304576xf32, #tpu.memory_space<vmem_shared>>
    tpu.enqueue_indirect_dma source(%arg5 : memref<128xf32, #tpu.memory_space<vmem>>) target(%dma_start3A_177 : memref<1304576xf32, #tpu.memory_space<vmem_shared>>) offsets(%dma_start3A_175 : memref<128xi32, #tpu.memory_space<vmem>>) semaphore(%arg8 : memref<!tpu.dma_semaphore, #tpu.memory_space<semaphore_mem>>) {add = true}
    %dma_start3A_178 = arith.constant 1 : i32
    %dma_start3A_179 = arith.constant 0 : i32
    %dma_start3A_180 = arith.constant 0 : i32
    %dma_start3A_181 = tpu.memref_slice %arg4[%dma_start3A_178, %dma_start3A_179, %dma_start3A_180] : memref<13x2x128xi32, #tpu.memory_space<vmem>> -> memref<1x1x128xi32, #tpu.memory_space<vmem>>
    %dma_start3A_182 = tpu.memref_squeeze %dma_start3A_181 : memref<1x1x128xi32, #tpu.memory_space<vmem>> -> memref<128xi32, #tpu.memory_space<vmem>>
    %dma_start3A_183 = arith.constant 0 : i32
    %dma_start3A_184 = tpu.memref_slice %arg7[%dma_start3A_183] : memref<1304576xf32, #tpu.memory_space<vmem_shared>> -> memref<1304576xf32, #tpu.memory_space<vmem_shared>>
    tpu.enqueue_indirect_dma source(%arg5 : memref<128xf32, #tpu.memory_space<vmem>>) target(%dma_start3A_184 : memref<1304576xf32, #tpu.memory_space<vmem_shared>>) offsets(%dma_start3A_182 : memref<128xi32, #tpu.memory_space<vmem>>) semaphore(%arg8 : memref<!tpu.dma_semaphore, #tpu.memory_space<semaphore_mem>>) {add = true}
    %dma_start3A_185 = arith.constant 1 : i32
    %dma_start3A_186 = arith.constant 1 : i32
    %dma_start3A_187 = arith.constant 0 : i32
    %dma_start3A_188 = tpu.memref_slice %arg4[%dma_start3A_185, %dma_start3A_186, %dma_start3A_187] : memref<13x2x128xi32, #tpu.memory_space<vmem>> -> memref<1x1x128xi32, #tpu.memory_space<vmem>>
    %dma_start3A_189 = tpu.memref_squeeze %dma_start3A_188 : memref<1x1x128xi32, #tpu.memory_space<vmem>> -> memref<128xi32, #tpu.memory_space<vmem>>
    %dma_start3A_190 = arith.constant 0 : i32
    %dma_start3A_191 = tpu.memref_slice %arg7[%dma_start3A_190] : memref<1304576xf32, #tpu.memory_space<vmem_shared>> -> memref<1304576xf32, #tpu.memory_space<vmem_shared>>
    tpu.enqueue_indirect_dma source(%arg5 : memref<128xf32, #tpu.memory_space<vmem>>) target(%dma_start3A_191 : memref<1304576xf32, #tpu.memory_space<vmem_shared>>) offsets(%dma_start3A_189 : memref<128xi32, #tpu.memory_space<vmem>>) semaphore(%arg8 : memref<!tpu.dma_semaphore, #tpu.memory_space<semaphore_mem>>) {add = true}
    %dma_start3A_192 = arith.constant 2 : i32
    %dma_start3A_193 = arith.constant 0 : i32
    %dma_start3A_194 = arith.constant 0 : i32
    %dma_start3A_195 = tpu.memref_slice %arg4[%dma_start3A_192, %dma_start3A_193, %dma_start3A_194] : memref<13x2x128xi32, #tpu.memory_space<vmem>> -> memref<1x1x128xi32, #tpu.memory_space<vmem>>
    %dma_start3A_196 = tpu.memref_squeeze %dma_start3A_195 : memref<1x1x128xi32, #tpu.memory_space<vmem>> -> memref<128xi32, #tpu.memory_space<vmem>>
    %dma_start3A_197 = arith.constant 0 : i32
    %dma_start3A_198 = tpu.memref_slice %arg7[%dma_start3A_197] : memref<1304576xf32, #tpu.memory_space<vmem_shared>> -> memref<1304576xf32, #tpu.memory_space<vmem_shared>>
    tpu.enqueue_indirect_dma source(%arg5 : memref<128xf32, #tpu.memory_space<vmem>>) target(%dma_start3A_198 : memref<1304576xf32, #tpu.memory_space<vmem_shared>>) offsets(%dma_start3A_196 : memref<128xi32, #tpu.memory_space<vmem>>) semaphore(%arg8 : memref<!tpu.dma_semaphore, #tpu.memory_space<semaphore_mem>>) {add = true}
    %dma_start3A_199 = arith.constant 2 : i32
    %dma_start3A_200 = arith.constant 1 : i32
    %dma_start3A_201 = arith.constant 0 : i32
    %dma_start3A_202 = tpu.memref_slice %arg4[%dma_start3A_199, %dma_start3A_200, %dma_start3A_201] : memref<13x2x128xi32, #tpu.memory_space<vmem>> -> memref<1x1x128xi32, #tpu.memory_space<vmem>>
    %dma_start3A_203 = tpu.memref_squeeze %dma_start3A_202 : memref<1x1x128xi32, #tpu.memory_space<vmem>> -> memref<128xi32, #tpu.memory_space<vmem>>
    %dma_start3A_204 = arith.constant 0 : i32
    %dma_start3A_205 = tpu.memref_slice %arg7[%dma_start3A_204] : memref<1304576xf32, #tpu.memory_space<vmem_shared>> -> memref<1304576xf32, #tpu.memory_space<vmem_shared>>
    tpu.enqueue_indirect_dma source(%arg5 : memref<128xf32, #tpu.memory_space<vmem>>) target(%dma_start3A_205 : memref<1304576xf32, #tpu.memory_space<vmem_shared>>) offsets(%dma_start3A_203 : memref<128xi32, #tpu.memory_space<vmem>>) semaphore(%arg8 : memref<!tpu.dma_semaphore, #tpu.memory_space<semaphore_mem>>) {add = true}
    %dma_start3A_206 = arith.constant 3 : i32
    %dma_start3A_207 = arith.constant 0 : i32
    %dma_start3A_208 = arith.constant 0 : i32
    %dma_start3A_209 = tpu.memref_slice %arg4[%dma_start3A_206, %dma_start3A_207, %dma_start3A_208] : memref<13x2x128xi32, #tpu.memory_space<vmem>> -> memref<1x1x128xi32, #tpu.memory_space<vmem>>
    %dma_start3A_210 = tpu.memref_squeeze %dma_start3A_209 : memref<1x1x128xi32, #tpu.memory_space<vmem>> -> memref<128xi32, #tpu.memory_space<vmem>>
    %dma_start3A_211 = arith.constant 0 : i32
    %dma_start3A_212 = tpu.memref_slice %arg7[%dma_start3A_211] : memref<1304576xf32, #tpu.memory_space<vmem_shared>> -> memref<1304576xf32, #tpu.memory_space<vmem_shared>>
    tpu.enqueue_indirect_dma source(%arg5 : memref<128xf32, #tpu.memory_space<vmem>>) target(%dma_start3A_212 : memref<1304576xf32, #tpu.memory_space<vmem_shared>>) offsets(%dma_start3A_210 : memref<128xi32, #tpu.memory_space<vmem>>) semaphore(%arg8 : memref<!tpu.dma_semaphore, #tpu.memory_space<semaphore_mem>>) {add = true}
    %dma_start3A_213 = arith.constant 3 : i32
    %dma_start3A_214 = arith.constant 1 : i32
    %dma_start3A_215 = arith.constant 0 : i32
    %dma_start3A_216 = tpu.memref_slice %arg4[%dma_start3A_213, %dma_start3A_214, %dma_start3A_215] : memref<13x2x128xi32, #tpu.memory_space<vmem>> -> memref<1x1x128xi32, #tpu.memory_space<vmem>>
    %dma_start3A_217 = tpu.memref_squeeze %dma_start3A_216 : memref<1x1x128xi32, #tpu.memory_space<vmem>> -> memref<128xi32, #tpu.memory_space<vmem>>
    %dma_start3A_218 = arith.constant 0 : i32
    %dma_start3A_219 = tpu.memref_slice %arg7[%dma_start3A_218] : memref<1304576xf32, #tpu.memory_space<vmem_shared>> -> memref<1304576xf32, #tpu.memory_space<vmem_shared>>
    tpu.enqueue_indirect_dma source(%arg5 : memref<128xf32, #tpu.memory_space<vmem>>) target(%dma_start3A_219 : memref<1304576xf32, #tpu.memory_space<vmem_shared>>) offsets(%dma_start3A_217 : memref<128xi32, #tpu.memory_space<vmem>>) semaphore(%arg8 : memref<!tpu.dma_semaphore, #tpu.memory_space<semaphore_mem>>) {add = true}
    %dma_start3A_220 = arith.constant 4 : i32
    %dma_start3A_221 = arith.constant 0 : i32
    %dma_start3A_222 = arith.constant 0 : i32
    %dma_start3A_223 = tpu.memref_slice %arg4[%dma_start3A_220, %dma_start3A_221, %dma_start3A_222] : memref<13x2x128xi32, #tpu.memory_space<vmem>> -> memref<1x1x128xi32, #tpu.memory_space<vmem>>
    %dma_start3A_224 = tpu.memref_squeeze %dma_start3A_223 : memref<1x1x128xi32, #tpu.memory_space<vmem>> -> memref<128xi32, #tpu.memory_space<vmem>>
    %dma_start3A_225 = arith.constant 0 : i32
    %dma_start3A_226 = tpu.memref_slice %arg7[%dma_start3A_225] : memref<1304576xf32, #tpu.memory_space<vmem_shared>> -> memref<1304576xf32, #tpu.memory_space<vmem_shared>>
    tpu.enqueue_indirect_dma source(%arg5 : memref<128xf32, #tpu.memory_space<vmem>>) target(%dma_start3A_226 : memref<1304576xf32, #tpu.memory_space<vmem_shared>>) offsets(%dma_start3A_224 : memref<128xi32, #tpu.memory_space<vmem>>) semaphore(%arg8 : memref<!tpu.dma_semaphore, #tpu.memory_space<semaphore_mem>>) {add = true}
    %dma_start3A_227 = arith.constant 4 : i32
    %dma_start3A_228 = arith.constant 1 : i32
    %dma_start3A_229 = arith.constant 0 : i32
    %dma_start3A_230 = tpu.memref_slice %arg4[%dma_start3A_227, %dma_start3A_228, %dma_start3A_229] : memref<13x2x128xi32, #tpu.memory_space<vmem>> -> memref<1x1x128xi32, #tpu.memory_space<vmem>>
    %dma_start3A_231 = tpu.memref_squeeze %dma_start3A_230 : memref<1x1x128xi32, #tpu.memory_space<vmem>> -> memref<128xi32, #tpu.memory_space<vmem>>
    %dma_start3A_232 = arith.constant 0 : i32
    %dma_start3A_233 = tpu.memref_slice %arg7[%dma_start3A_232] : memref<1304576xf32, #tpu.memory_space<vmem_shared>> -> memref<1304576xf32, #tpu.memory_space<vmem_shared>>
    tpu.enqueue_indirect_dma source(%arg5 : memref<128xf32, #tpu.memory_space<vmem>>) target(%dma_start3A_233 : memref<1304576xf32, #tpu.memory_space<vmem_shared>>) offsets(%dma_start3A_231 : memref<128xi32, #tpu.memory_space<vmem>>) semaphore(%arg8 : memref<!tpu.dma_semaphore, #tpu.memory_space<semaphore_mem>>) {add = true}
    %dma_start3A_234 = arith.constant 5 : i32
    %dma_start3A_235 = arith.constant 0 : i32
    %dma_start3A_236 = arith.constant 0 : i32
    %dma_start3A_237 = tpu.memref_slice %arg4[%dma_start3A_234, %dma_start3A_235, %dma_start3A_236] : memref<13x2x128xi32, #tpu.memory_space<vmem>> -> memref<1x1x128xi32, #tpu.memory_space<vmem>>
    %dma_start3A_238 = tpu.memref_squeeze %dma_start3A_237 : memref<1x1x128xi32, #tpu.memory_space<vmem>> -> memref<128xi32, #tpu.memory_space<vmem>>
    %dma_start3A_239 = arith.constant 0 : i32
    %dma_start3A_240 = tpu.memref_slice %arg7[%dma_start3A_239] : memref<1304576xf32, #tpu.memory_space<vmem_shared>> -> memref<1304576xf32, #tpu.memory_space<vmem_shared>>
    tpu.enqueue_indirect_dma source(%arg5 : memref<128xf32, #tpu.memory_space<vmem>>) target(%dma_start3A_240 : memref<1304576xf32, #tpu.memory_space<vmem_shared>>) offsets(%dma_start3A_238 : memref<128xi32, #tpu.memory_space<vmem>>) semaphore(%arg8 : memref<!tpu.dma_semaphore, #tpu.memory_space<semaphore_mem>>) {add = true}
    %dma_start3A_241 = arith.constant 5 : i32
    %dma_start3A_242 = arith.constant 1 : i32
    %dma_start3A_243 = arith.constant 0 : i32
    %dma_start3A_244 = tpu.memref_slice %arg4[%dma_start3A_241, %dma_start3A_242, %dma_start3A_243] : memref<13x2x128xi32, #tpu.memory_space<vmem>> -> memref<1x1x128xi32, #tpu.memory_space<vmem>>
    %dma_start3A_245 = tpu.memref_squeeze %dma_start3A_244 : memref<1x1x128xi32, #tpu.memory_space<vmem>> -> memref<128xi32, #tpu.memory_space<vmem>>
    %dma_start3A_246 = arith.constant 0 : i32
    %dma_start3A_247 = tpu.memref_slice %arg7[%dma_start3A_246] : memref<1304576xf32, #tpu.memory_space<vmem_shared>> -> memref<1304576xf32, #tpu.memory_space<vmem_shared>>
    tpu.enqueue_indirect_dma source(%arg5 : memref<128xf32, #tpu.memory_space<vmem>>) target(%dma_start3A_247 : memref<1304576xf32, #tpu.memory_space<vmem_shared>>) offsets(%dma_start3A_245 : memref<128xi32, #tpu.memory_space<vmem>>) semaphore(%arg8 : memref<!tpu.dma_semaphore, #tpu.memory_space<semaphore_mem>>) {add = true}
    %dma_start3A_248 = arith.constant 6 : i32
    %dma_start3A_249 = arith.constant 0 : i32
    %dma_start3A_250 = arith.constant 0 : i32
    %dma_start3A_251 = tpu.memref_slice %arg4[%dma_start3A_248, %dma_start3A_249, %dma_start3A_250] : memref<13x2x128xi32, #tpu.memory_space<vmem>> -> memref<1x1x128xi32, #tpu.memory_space<vmem>>
    %dma_start3A_252 = tpu.memref_squeeze %dma_start3A_251 : memref<1x1x128xi32, #tpu.memory_space<vmem>> -> memref<128xi32, #tpu.memory_space<vmem>>
    %dma_start3A_253 = arith.constant 0 : i32
    %dma_start3A_254 = tpu.memref_slice %arg7[%dma_start3A_253] : memref<1304576xf32, #tpu.memory_space<vmem_shared>> -> memref<1304576xf32, #tpu.memory_space<vmem_shared>>
    tpu.enqueue_indirect_dma source(%arg5 : memref<128xf32, #tpu.memory_space<vmem>>) target(%dma_start3A_254 : memref<1304576xf32, #tpu.memory_space<vmem_shared>>) offsets(%dma_start3A_252 : memref<128xi32, #tpu.memory_space<vmem>>) semaphore(%arg8 : memref<!tpu.dma_semaphore, #tpu.memory_space<semaphore_mem>>) {add = true}
    %dma_start3A_255 = arith.constant 6 : i32
    %dma_start3A_256 = arith.constant 1 : i32
    %dma_start3A_257 = arith.constant 0 : i32
    %dma_start3A_258 = tpu.memref_slice %arg4[%dma_start3A_255, %dma_start3A_256, %dma_start3A_257] : memref<13x2x128xi32, #tpu.memory_space<vmem>> -> memref<1x1x128xi32, #tpu.memory_space<vmem>>
    %dma_start3A_259 = tpu.memref_squeeze %dma_start3A_258 : memref<1x1x128xi32, #tpu.memory_space<vmem>> -> memref<128xi32, #tpu.memory_space<vmem>>
    %dma_start3A_260 = arith.constant 0 : i32
    %dma_start3A_261 = tpu.memref_slice %arg7[%dma_start3A_260] : memref<1304576xf32, #tpu.memory_space<vmem_shared>> -> memref<1304576xf32, #tpu.memory_space<vmem_shared>>
    tpu.enqueue_indirect_dma source(%arg5 : memref<128xf32, #tpu.memory_space<vmem>>) target(%dma_start3A_261 : memref<1304576xf32, #tpu.memory_space<vmem_shared>>) offsets(%dma_start3A_259 : memref<128xi32, #tpu.memory_space<vmem>>) semaphore(%arg8 : memref<!tpu.dma_semaphore, #tpu.memory_space<semaphore_mem>>) {add = true}
    %dma_start3A_262 = arith.constant 7 : i32
    %dma_start3A_263 = arith.constant 0 : i32
    %dma_start3A_264 = arith.constant 0 : i32
    %dma_start3A_265 = tpu.memref_slice %arg4[%dma_start3A_262, %dma_start3A_263, %dma_start3A_264] : memref<13x2x128xi32, #tpu.memory_space<vmem>> -> memref<1x1x128xi32, #tpu.memory_space<vmem>>
    %dma_start3A_266 = tpu.memref_squeeze %dma_start3A_265 : memref<1x1x128xi32, #tpu.memory_space<vmem>> -> memref<128xi32, #tpu.memory_space<vmem>>
    %dma_start3A_267 = arith.constant 0 : i32
    %dma_start3A_268 = tpu.memref_slice %arg7[%dma_start3A_267] : memref<1304576xf32, #tpu.memory_space<vmem_shared>> -> memref<1304576xf32, #tpu.memory_space<vmem_shared>>
    tpu.enqueue_indirect_dma source(%arg5 : memref<128xf32, #tpu.memory_space<vmem>>) target(%dma_start3A_268 : memref<1304576xf32, #tpu.memory_space<vmem_shared>>) offsets(%dma_start3A_266 : memref<128xi32, #tpu.memory_space<vmem>>) semaphore(%arg8 : memref<!tpu.dma_semaphore, #tpu.memory_space<semaphore_mem>>) {add = true}
    %dma_start3A_269 = arith.constant 7 : i32
    %dma_start3A_270 = arith.constant 1 : i32
    %dma_start3A_271 = arith.constant 0 : i32
    %dma_start3A_272 = tpu.memref_slice %arg4[%dma_start3A_269, %dma_start3A_270, %dma_start3A_271] : memref<13x2x128xi32, #tpu.memory_space<vmem>> -> memref<1x1x128xi32, #tpu.memory_space<vmem>>
    %dma_start3A_273 = tpu.memref_squeeze %dma_start3A_272 : memref<1x1x128xi32, #tpu.memory_space<vmem>> -> memref<128xi32, #tpu.memory_space<vmem>>
    %dma_start3A_274 = arith.constant 0 : i32
    %dma_start3A_275 = tpu.memref_slice %arg7[%dma_start3A_274] : memref<1304576xf32, #tpu.memory_space<vmem_shared>> -> memref<1304576xf32, #tpu.memory_space<vmem_shared>>
    tpu.enqueue_indirect_dma source(%arg5 : memref<128xf32, #tpu.memory_space<vmem>>) target(%dma_start3A_275 : memref<1304576xf32, #tpu.memory_space<vmem_shared>>) offsets(%dma_start3A_273 : memref<128xi32, #tpu.memory_space<vmem>>) semaphore(%arg8 : memref<!tpu.dma_semaphore, #tpu.memory_space<semaphore_mem>>) {add = true}
    %dma_start3A_276 = arith.constant 8 : i32
    %dma_start3A_277 = arith.constant 0 : i32
    %dma_start3A_278 = arith.constant 0 : i32
    %dma_start3A_279 = tpu.memref_slice %arg4[%dma_start3A_276, %dma_start3A_277, %dma_start3A_278] : memref<13x2x128xi32, #tpu.memory_space<vmem>> -> memref<1x1x128xi32, #tpu.memory_space<vmem>>
    %dma_start3A_280 = tpu.memref_squeeze %dma_start3A_279 : memref<1x1x128xi32, #tpu.memory_space<vmem>> -> memref<128xi32, #tpu.memory_space<vmem>>
    %dma_start3A_281 = arith.constant 0 : i32
    %dma_start3A_282 = tpu.memref_slice %arg7[%dma_start3A_281] : memref<1304576xf32, #tpu.memory_space<vmem_shared>> -> memref<1304576xf32, #tpu.memory_space<vmem_shared>>
    tpu.enqueue_indirect_dma source(%arg5 : memref<128xf32, #tpu.memory_space<vmem>>) target(%dma_start3A_282 : memref<1304576xf32, #tpu.memory_space<vmem_shared>>) offsets(%dma_start3A_280 : memref<128xi32, #tpu.memory_space<vmem>>) semaphore(%arg8 : memref<!tpu.dma_semaphore, #tpu.memory_space<semaphore_mem>>) {add = true}
    %dma_start3A_283 = arith.constant 8 : i32
    %dma_start3A_284 = arith.constant 1 : i32
    %dma_start3A_285 = arith.constant 0 : i32
    %dma_start3A_286 = tpu.memref_slice %arg4[%dma_start3A_283, %dma_start3A_284, %dma_start3A_285] : memref<13x2x128xi32, #tpu.memory_space<vmem>> -> memref<1x1x128xi32, #tpu.memory_space<vmem>>
    %dma_start3A_287 = tpu.memref_squeeze %dma_start3A_286 : memref<1x1x128xi32, #tpu.memory_space<vmem>> -> memref<128xi32, #tpu.memory_space<vmem>>
    %dma_start3A_288 = arith.constant 0 : i32
    %dma_start3A_289 = tpu.memref_slice %arg7[%dma_start3A_288] : memref<1304576xf32, #tpu.memory_space<vmem_shared>> -> memref<1304576xf32, #tpu.memory_space<vmem_shared>>
    tpu.enqueue_indirect_dma source(%arg5 : memref<128xf32, #tpu.memory_space<vmem>>) target(%dma_start3A_289 : memref<1304576xf32, #tpu.memory_space<vmem_shared>>) offsets(%dma_start3A_287 : memref<128xi32, #tpu.memory_space<vmem>>) semaphore(%arg8 : memref<!tpu.dma_semaphore, #tpu.memory_space<semaphore_mem>>) {add = true}
    %dma_start3A_290 = arith.constant 9 : i32
    %dma_start3A_291 = arith.constant 0 : i32
    %dma_start3A_292 = arith.constant 0 : i32
    %dma_start3A_293 = tpu.memref_slice %arg4[%dma_start3A_290, %dma_start3A_291, %dma_start3A_292] : memref<13x2x128xi32, #tpu.memory_space<vmem>> -> memref<1x1x128xi32, #tpu.memory_space<vmem>>
    %dma_start3A_294 = tpu.memref_squeeze %dma_start3A_293 : memref<1x1x128xi32, #tpu.memory_space<vmem>> -> memref<128xi32, #tpu.memory_space<vmem>>
    %dma_start3A_295 = arith.constant 0 : i32
    %dma_start3A_296 = tpu.memref_slice %arg7[%dma_start3A_295] : memref<1304576xf32, #tpu.memory_space<vmem_shared>> -> memref<1304576xf32, #tpu.memory_space<vmem_shared>>
    tpu.enqueue_indirect_dma source(%arg5 : memref<128xf32, #tpu.memory_space<vmem>>) target(%dma_start3A_296 : memref<1304576xf32, #tpu.memory_space<vmem_shared>>) offsets(%dma_start3A_294 : memref<128xi32, #tpu.memory_space<vmem>>) semaphore(%arg8 : memref<!tpu.dma_semaphore, #tpu.memory_space<semaphore_mem>>) {add = true}
    %dma_start3A_297 = arith.constant 9 : i32
    %dma_start3A_298 = arith.constant 1 : i32
    %dma_start3A_299 = arith.constant 0 : i32
    %dma_start3A_300 = tpu.memref_slice %arg4[%dma_start3A_297, %dma_start3A_298, %dma_start3A_299] : memref<13x2x128xi32, #tpu.memory_space<vmem>> -> memref<1x1x128xi32, #tpu.memory_space<vmem>>
    %dma_start3A_301 = tpu.memref_squeeze %dma_start3A_300 : memref<1x1x128xi32, #tpu.memory_space<vmem>> -> memref<128xi32, #tpu.memory_space<vmem>>
    %dma_start3A_302 = arith.constant 0 : i32
    %dma_start3A_303 = tpu.memref_slice %arg7[%dma_start3A_302] : memref<1304576xf32, #tpu.memory_space<vmem_shared>> -> memref<1304576xf32, #tpu.memory_space<vmem_shared>>
    tpu.enqueue_indirect_dma source(%arg5 : memref<128xf32, #tpu.memory_space<vmem>>) target(%dma_start3A_303 : memref<1304576xf32, #tpu.memory_space<vmem_shared>>) offsets(%dma_start3A_301 : memref<128xi32, #tpu.memory_space<vmem>>) semaphore(%arg8 : memref<!tpu.dma_semaphore, #tpu.memory_space<semaphore_mem>>) {add = true}
    %dma_start3A_304 = arith.constant 10 : i32
    %dma_start3A_305 = arith.constant 0 : i32
    %dma_start3A_306 = arith.constant 0 : i32
    %dma_start3A_307 = tpu.memref_slice %arg4[%dma_start3A_304, %dma_start3A_305, %dma_start3A_306] : memref<13x2x128xi32, #tpu.memory_space<vmem>> -> memref<1x1x128xi32, #tpu.memory_space<vmem>>
    %dma_start3A_308 = tpu.memref_squeeze %dma_start3A_307 : memref<1x1x128xi32, #tpu.memory_space<vmem>> -> memref<128xi32, #tpu.memory_space<vmem>>
    %dma_start3A_309 = arith.constant 0 : i32
    %dma_start3A_310 = tpu.memref_slice %arg7[%dma_start3A_309] : memref<1304576xf32, #tpu.memory_space<vmem_shared>> -> memref<1304576xf32, #tpu.memory_space<vmem_shared>>
    tpu.enqueue_indirect_dma source(%arg5 : memref<128xf32, #tpu.memory_space<vmem>>) target(%dma_start3A_310 : memref<1304576xf32, #tpu.memory_space<vmem_shared>>) offsets(%dma_start3A_308 : memref<128xi32, #tpu.memory_space<vmem>>) semaphore(%arg8 : memref<!tpu.dma_semaphore, #tpu.memory_space<semaphore_mem>>) {add = true}
    %dma_start3A_311 = arith.constant 10 : i32
    %dma_start3A_312 = arith.constant 1 : i32
    %dma_start3A_313 = arith.constant 0 : i32
    %dma_start3A_314 = tpu.memref_slice %arg4[%dma_start3A_311, %dma_start3A_312, %dma_start3A_313] : memref<13x2x128xi32, #tpu.memory_space<vmem>> -> memref<1x1x128xi32, #tpu.memory_space<vmem>>
    %dma_start3A_315 = tpu.memref_squeeze %dma_start3A_314 : memref<1x1x128xi32, #tpu.memory_space<vmem>> -> memref<128xi32, #tpu.memory_space<vmem>>
    %dma_start3A_316 = arith.constant 0 : i32
    %dma_start3A_317 = tpu.memref_slice %arg7[%dma_start3A_316] : memref<1304576xf32, #tpu.memory_space<vmem_shared>> -> memref<1304576xf32, #tpu.memory_space<vmem_shared>>
    tpu.enqueue_indirect_dma source(%arg5 : memref<128xf32, #tpu.memory_space<vmem>>) target(%dma_start3A_317 : memref<1304576xf32, #tpu.memory_space<vmem_shared>>) offsets(%dma_start3A_315 : memref<128xi32, #tpu.memory_space<vmem>>) semaphore(%arg8 : memref<!tpu.dma_semaphore, #tpu.memory_space<semaphore_mem>>) {add = true}
    %dma_start3A_318 = arith.constant 11 : i32
    %dma_start3A_319 = arith.constant 0 : i32
    %dma_start3A_320 = arith.constant 0 : i32
    %dma_start3A_321 = tpu.memref_slice %arg4[%dma_start3A_318, %dma_start3A_319, %dma_start3A_320] : memref<13x2x128xi32, #tpu.memory_space<vmem>> -> memref<1x1x128xi32, #tpu.memory_space<vmem>>
    %dma_start3A_322 = tpu.memref_squeeze %dma_start3A_321 : memref<1x1x128xi32, #tpu.memory_space<vmem>> -> memref<128xi32, #tpu.memory_space<vmem>>
    %dma_start3A_323 = arith.constant 0 : i32
    %dma_start3A_324 = tpu.memref_slice %arg7[%dma_start3A_323] : memref<1304576xf32, #tpu.memory_space<vmem_shared>> -> memref<1304576xf32, #tpu.memory_space<vmem_shared>>
    tpu.enqueue_indirect_dma source(%arg5 : memref<128xf32, #tpu.memory_space<vmem>>) target(%dma_start3A_324 : memref<1304576xf32, #tpu.memory_space<vmem_shared>>) offsets(%dma_start3A_322 : memref<128xi32, #tpu.memory_space<vmem>>) semaphore(%arg8 : memref<!tpu.dma_semaphore, #tpu.memory_space<semaphore_mem>>) {add = true}
    %dma_start3A_325 = arith.constant 11 : i32
    %dma_start3A_326 = arith.constant 1 : i32
    %dma_start3A_327 = arith.constant 0 : i32
    %dma_start3A_328 = tpu.memref_slice %arg4[%dma_start3A_325, %dma_start3A_326, %dma_start3A_327] : memref<13x2x128xi32, #tpu.memory_space<vmem>> -> memref<1x1x128xi32, #tpu.memory_space<vmem>>
    %dma_start3A_329 = tpu.memref_squeeze %dma_start3A_328 : memref<1x1x128xi32, #tpu.memory_space<vmem>> -> memref<128xi32, #tpu.memory_space<vmem>>
    %dma_start3A_330 = arith.constant 0 : i32
    %dma_start3A_331 = tpu.memref_slice %arg7[%dma_start3A_330] : memref<1304576xf32, #tpu.memory_space<vmem_shared>> -> memref<1304576xf32, #tpu.memory_space<vmem_shared>>
    tpu.enqueue_indirect_dma source(%arg5 : memref<128xf32, #tpu.memory_space<vmem>>) target(%dma_start3A_331 : memref<1304576xf32, #tpu.memory_space<vmem_shared>>) offsets(%dma_start3A_329 : memref<128xi32, #tpu.memory_space<vmem>>) semaphore(%arg8 : memref<!tpu.dma_semaphore, #tpu.memory_space<semaphore_mem>>) {add = true}
    %dma_start3A_332 = arith.constant 12 : i32
    %dma_start3A_333 = arith.constant 0 : i32
    %dma_start3A_334 = arith.constant 0 : i32
    %dma_start3A_335 = tpu.memref_slice %arg4[%dma_start3A_332, %dma_start3A_333, %dma_start3A_334] : memref<13x2x128xi32, #tpu.memory_space<vmem>> -> memref<1x1x128xi32, #tpu.memory_space<vmem>>
    %dma_start3A_336 = tpu.memref_squeeze %dma_start3A_335 : memref<1x1x128xi32, #tpu.memory_space<vmem>> -> memref<128xi32, #tpu.memory_space<vmem>>
    %dma_start3A_337 = arith.constant 0 : i32
    %dma_start3A_338 = tpu.memref_slice %arg7[%dma_start3A_337] : memref<1304576xf32, #tpu.memory_space<vmem_shared>> -> memref<1304576xf32, #tpu.memory_space<vmem_shared>>
    tpu.enqueue_indirect_dma source(%arg5 : memref<128xf32, #tpu.memory_space<vmem>>) target(%dma_start3A_338 : memref<1304576xf32, #tpu.memory_space<vmem_shared>>) offsets(%dma_start3A_336 : memref<128xi32, #tpu.memory_space<vmem>>) semaphore(%arg8 : memref<!tpu.dma_semaphore, #tpu.memory_space<semaphore_mem>>) {add = true}
    %dma_start3A_339 = arith.constant 12 : i32
    %dma_start3A_340 = arith.constant 1 : i32
    %dma_start3A_341 = arith.constant 0 : i32
    %dma_start3A_342 = tpu.memref_slice %arg4[%dma_start3A_339, %dma_start3A_340, %dma_start3A_341] : memref<13x2x128xi32, #tpu.memory_space<vmem>> -> memref<1x1x128xi32, #tpu.memory_space<vmem>>
    %dma_start3A_343 = tpu.memref_squeeze %dma_start3A_342 : memref<1x1x128xi32, #tpu.memory_space<vmem>> -> memref<128xi32, #tpu.memory_space<vmem>>
    %dma_start3A_344 = arith.constant 0 : i32
    %dma_start3A_345 = tpu.memref_slice %arg7[%dma_start3A_344] : memref<1304576xf32, #tpu.memory_space<vmem_shared>> -> memref<1304576xf32, #tpu.memory_space<vmem_shared>>
    tpu.enqueue_indirect_dma source(%arg5 : memref<128xf32, #tpu.memory_space<vmem>>) target(%dma_start3A_345 : memref<1304576xf32, #tpu.memory_space<vmem_shared>>) offsets(%dma_start3A_343 : memref<128xi32, #tpu.memory_space<vmem>>) semaphore(%arg8 : memref<!tpu.dma_semaphore, #tpu.memory_space<semaphore_mem>>) {add = true}
    %dma_wait3A_346 = arith.constant 0 : i32
    %dma_wait3A_347 = arith.constant 0 : i32
    %dma_wait3A_348 = arith.constant 0 : i32
    %dma_wait3A_349 = tpu.memref_slice %arg4[%dma_wait3A_346, %dma_wait3A_347, %dma_wait3A_348] : memref<13x2x128xi32, #tpu.memory_space<vmem>> -> memref<1x1x128xi32, #tpu.memory_space<vmem>>
    %dma_wait3A_350 = tpu.memref_squeeze %dma_wait3A_349 : memref<1x1x128xi32, #tpu.memory_space<vmem>> -> memref<128xi32, #tpu.memory_space<vmem>>
    %dma_wait3A_351 = arith.constant 0 : i32
    %dma_wait3A_352 = tpu.memref_slice %arg7[%dma_wait3A_351] : memref<1304576xf32, #tpu.memory_space<vmem_shared>> -> memref<1304576xf32, #tpu.memory_space<vmem_shared>>
    tpu.wait_indirect_dma semaphore(%arg8 : memref<!tpu.dma_semaphore, #tpu.memory_space<semaphore_mem>>) src(%arg5 : memref<128xf32, #tpu.memory_space<vmem>>) dst(%dma_wait3A_352 : memref<1304576xf32, #tpu.memory_space<vmem_shared>>)
    %dma_wait3A_353 = arith.constant 0 : i32
    %dma_wait3A_354 = arith.constant 1 : i32
    %dma_wait3A_355 = arith.constant 0 : i32
    %dma_wait3A_356 = tpu.memref_slice %arg4[%dma_wait3A_353, %dma_wait3A_354, %dma_wait3A_355] : memref<13x2x128xi32, #tpu.memory_space<vmem>> -> memref<1x1x128xi32, #tpu.memory_space<vmem>>
    %dma_wait3A_357 = tpu.memref_squeeze %dma_wait3A_356 : memref<1x1x128xi32, #tpu.memory_space<vmem>> -> memref<128xi32, #tpu.memory_space<vmem>>
    %dma_wait3A_358 = arith.constant 0 : i32
    %dma_wait3A_359 = tpu.memref_slice %arg7[%dma_wait3A_358] : memref<1304576xf32, #tpu.memory_space<vmem_shared>> -> memref<1304576xf32, #tpu.memory_space<vmem_shared>>
    tpu.wait_indirect_dma semaphore(%arg8 : memref<!tpu.dma_semaphore, #tpu.memory_space<semaphore_mem>>) src(%arg5 : memref<128xf32, #tpu.memory_space<vmem>>) dst(%dma_wait3A_359 : memref<1304576xf32, #tpu.memory_space<vmem_shared>>)
    %dma_wait3A_360 = arith.constant 1 : i32
    %dma_wait3A_361 = arith.constant 0 : i32
    %dma_wait3A_362 = arith.constant 0 : i32
    %dma_wait3A_363 = tpu.memref_slice %arg4[%dma_wait3A_360, %dma_wait3A_361, %dma_wait3A_362] : memref<13x2x128xi32, #tpu.memory_space<vmem>> -> memref<1x1x128xi32, #tpu.memory_space<vmem>>
    %dma_wait3A_364 = tpu.memref_squeeze %dma_wait3A_363 : memref<1x1x128xi32, #tpu.memory_space<vmem>> -> memref<128xi32, #tpu.memory_space<vmem>>
    %dma_wait3A_365 = arith.constant 0 : i32
    %dma_wait3A_366 = tpu.memref_slice %arg7[%dma_wait3A_365] : memref<1304576xf32, #tpu.memory_space<vmem_shared>> -> memref<1304576xf32, #tpu.memory_space<vmem_shared>>
    tpu.wait_indirect_dma semaphore(%arg8 : memref<!tpu.dma_semaphore, #tpu.memory_space<semaphore_mem>>) src(%arg5 : memref<128xf32, #tpu.memory_space<vmem>>) dst(%dma_wait3A_366 : memref<1304576xf32, #tpu.memory_space<vmem_shared>>)
    %dma_wait3A_367 = arith.constant 1 : i32
    %dma_wait3A_368 = arith.constant 1 : i32
    %dma_wait3A_369 = arith.constant 0 : i32
    %dma_wait3A_370 = tpu.memref_slice %arg4[%dma_wait3A_367, %dma_wait3A_368, %dma_wait3A_369] : memref<13x2x128xi32, #tpu.memory_space<vmem>> -> memref<1x1x128xi32, #tpu.memory_space<vmem>>
    %dma_wait3A_371 = tpu.memref_squeeze %dma_wait3A_370 : memref<1x1x128xi32, #tpu.memory_space<vmem>> -> memref<128xi32, #tpu.memory_space<vmem>>
    %dma_wait3A_372 = arith.constant 0 : i32
    %dma_wait3A_373 = tpu.memref_slice %arg7[%dma_wait3A_372] : memref<1304576xf32, #tpu.memory_space<vmem_shared>> -> memref<1304576xf32, #tpu.memory_space<vmem_shared>>
    tpu.wait_indirect_dma semaphore(%arg8 : memref<!tpu.dma_semaphore, #tpu.memory_space<semaphore_mem>>) src(%arg5 : memref<128xf32, #tpu.memory_space<vmem>>) dst(%dma_wait3A_373 : memref<1304576xf32, #tpu.memory_space<vmem_shared>>)
    %dma_wait3A_374 = arith.constant 2 : i32
    %dma_wait3A_375 = arith.constant 0 : i32
    %dma_wait3A_376 = arith.constant 0 : i32
    %dma_wait3A_377 = tpu.memref_slice %arg4[%dma_wait3A_374, %dma_wait3A_375, %dma_wait3A_376] : memref<13x2x128xi32, #tpu.memory_space<vmem>> -> memref<1x1x128xi32, #tpu.memory_space<vmem>>
    %dma_wait3A_378 = tpu.memref_squeeze %dma_wait3A_377 : memref<1x1x128xi32, #tpu.memory_space<vmem>> -> memref<128xi32, #tpu.memory_space<vmem>>
    %dma_wait3A_379 = arith.constant 0 : i32
    %dma_wait3A_380 = tpu.memref_slice %arg7[%dma_wait3A_379] : memref<1304576xf32, #tpu.memory_space<vmem_shared>> -> memref<1304576xf32, #tpu.memory_space<vmem_shared>>
    tpu.wait_indirect_dma semaphore(%arg8 : memref<!tpu.dma_semaphore, #tpu.memory_space<semaphore_mem>>) src(%arg5 : memref<128xf32, #tpu.memory_space<vmem>>) dst(%dma_wait3A_380 : memref<1304576xf32, #tpu.memory_space<vmem_shared>>)
    %dma_wait3A_381 = arith.constant 2 : i32
    %dma_wait3A_382 = arith.constant 1 : i32
    %dma_wait3A_383 = arith.constant 0 : i32
    %dma_wait3A_384 = tpu.memref_slice %arg4[%dma_wait3A_381, %dma_wait3A_382, %dma_wait3A_383] : memref<13x2x128xi32, #tpu.memory_space<vmem>> -> memref<1x1x128xi32, #tpu.memory_space<vmem>>
    %dma_wait3A_385 = tpu.memref_squeeze %dma_wait3A_384 : memref<1x1x128xi32, #tpu.memory_space<vmem>> -> memref<128xi32, #tpu.memory_space<vmem>>
    %dma_wait3A_386 = arith.constant 0 : i32
    %dma_wait3A_387 = tpu.memref_slice %arg7[%dma_wait3A_386] : memref<1304576xf32, #tpu.memory_space<vmem_shared>> -> memref<1304576xf32, #tpu.memory_space<vmem_shared>>
    tpu.wait_indirect_dma semaphore(%arg8 : memref<!tpu.dma_semaphore, #tpu.memory_space<semaphore_mem>>) src(%arg5 : memref<128xf32, #tpu.memory_space<vmem>>) dst(%dma_wait3A_387 : memref<1304576xf32, #tpu.memory_space<vmem_shared>>)
    %dma_wait3A_388 = arith.constant 3 : i32
    %dma_wait3A_389 = arith.constant 0 : i32
    %dma_wait3A_390 = arith.constant 0 : i32
    %dma_wait3A_391 = tpu.memref_slice %arg4[%dma_wait3A_388, %dma_wait3A_389, %dma_wait3A_390] : memref<13x2x128xi32, #tpu.memory_space<vmem>> -> memref<1x1x128xi32, #tpu.memory_space<vmem>>
    %dma_wait3A_392 = tpu.memref_squeeze %dma_wait3A_391 : memref<1x1x128xi32, #tpu.memory_space<vmem>> -> memref<128xi32, #tpu.memory_space<vmem>>
    %dma_wait3A_393 = arith.constant 0 : i32
    %dma_wait3A_394 = tpu.memref_slice %arg7[%dma_wait3A_393] : memref<1304576xf32, #tpu.memory_space<vmem_shared>> -> memref<1304576xf32, #tpu.memory_space<vmem_shared>>
    tpu.wait_indirect_dma semaphore(%arg8 : memref<!tpu.dma_semaphore, #tpu.memory_space<semaphore_mem>>) src(%arg5 : memref<128xf32, #tpu.memory_space<vmem>>) dst(%dma_wait3A_394 : memref<1304576xf32, #tpu.memory_space<vmem_shared>>)
    %dma_wait3A_395 = arith.constant 3 : i32
    %dma_wait3A_396 = arith.constant 1 : i32
    %dma_wait3A_397 = arith.constant 0 : i32
    %dma_wait3A_398 = tpu.memref_slice %arg4[%dma_wait3A_395, %dma_wait3A_396, %dma_wait3A_397] : memref<13x2x128xi32, #tpu.memory_space<vmem>> -> memref<1x1x128xi32, #tpu.memory_space<vmem>>
    %dma_wait3A_399 = tpu.memref_squeeze %dma_wait3A_398 : memref<1x1x128xi32, #tpu.memory_space<vmem>> -> memref<128xi32, #tpu.memory_space<vmem>>
    %dma_wait3A_400 = arith.constant 0 : i32
    %dma_wait3A_401 = tpu.memref_slice %arg7[%dma_wait3A_400] : memref<1304576xf32, #tpu.memory_space<vmem_shared>> -> memref<1304576xf32, #tpu.memory_space<vmem_shared>>
    tpu.wait_indirect_dma semaphore(%arg8 : memref<!tpu.dma_semaphore, #tpu.memory_space<semaphore_mem>>) src(%arg5 : memref<128xf32, #tpu.memory_space<vmem>>) dst(%dma_wait3A_401 : memref<1304576xf32, #tpu.memory_space<vmem_shared>>)
    %dma_wait3A_402 = arith.constant 4 : i32
    %dma_wait3A_403 = arith.constant 0 : i32
    %dma_wait3A_404 = arith.constant 0 : i32
    %dma_wait3A_405 = tpu.memref_slice %arg4[%dma_wait3A_402, %dma_wait3A_403, %dma_wait3A_404] : memref<13x2x128xi32, #tpu.memory_space<vmem>> -> memref<1x1x128xi32, #tpu.memory_space<vmem>>
    %dma_wait3A_406 = tpu.memref_squeeze %dma_wait3A_405 : memref<1x1x128xi32, #tpu.memory_space<vmem>> -> memref<128xi32, #tpu.memory_space<vmem>>
    %dma_wait3A_407 = arith.constant 0 : i32
    %dma_wait3A_408 = tpu.memref_slice %arg7[%dma_wait3A_407] : memref<1304576xf32, #tpu.memory_space<vmem_shared>> -> memref<1304576xf32, #tpu.memory_space<vmem_shared>>
    tpu.wait_indirect_dma semaphore(%arg8 : memref<!tpu.dma_semaphore, #tpu.memory_space<semaphore_mem>>) src(%arg5 : memref<128xf32, #tpu.memory_space<vmem>>) dst(%dma_wait3A_408 : memref<1304576xf32, #tpu.memory_space<vmem_shared>>)
    %dma_wait3A_409 = arith.constant 4 : i32
    %dma_wait3A_410 = arith.constant 1 : i32
    %dma_wait3A_411 = arith.constant 0 : i32
    %dma_wait3A_412 = tpu.memref_slice %arg4[%dma_wait3A_409, %dma_wait3A_410, %dma_wait3A_411] : memref<13x2x128xi32, #tpu.memory_space<vmem>> -> memref<1x1x128xi32, #tpu.memory_space<vmem>>
    %dma_wait3A_413 = tpu.memref_squeeze %dma_wait3A_412 : memref<1x1x128xi32, #tpu.memory_space<vmem>> -> memref<128xi32, #tpu.memory_space<vmem>>
    %dma_wait3A_414 = arith.constant 0 : i32
    %dma_wait3A_415 = tpu.memref_slice %arg7[%dma_wait3A_414] : memref<1304576xf32, #tpu.memory_space<vmem_shared>> -> memref<1304576xf32, #tpu.memory_space<vmem_shared>>
    tpu.wait_indirect_dma semaphore(%arg8 : memref<!tpu.dma_semaphore, #tpu.memory_space<semaphore_mem>>) src(%arg5 : memref<128xf32, #tpu.memory_space<vmem>>) dst(%dma_wait3A_415 : memref<1304576xf32, #tpu.memory_space<vmem_shared>>)
    %dma_wait3A_416 = arith.constant 5 : i32
    %dma_wait3A_417 = arith.constant 0 : i32
    %dma_wait3A_418 = arith.constant 0 : i32
    %dma_wait3A_419 = tpu.memref_slice %arg4[%dma_wait3A_416, %dma_wait3A_417, %dma_wait3A_418] : memref<13x2x128xi32, #tpu.memory_space<vmem>> -> memref<1x1x128xi32, #tpu.memory_space<vmem>>
    %dma_wait3A_420 = tpu.memref_squeeze %dma_wait3A_419 : memref<1x1x128xi32, #tpu.memory_space<vmem>> -> memref<128xi32, #tpu.memory_space<vmem>>
    %dma_wait3A_421 = arith.constant 0 : i32
    %dma_wait3A_422 = tpu.memref_slice %arg7[%dma_wait3A_421] : memref<1304576xf32, #tpu.memory_space<vmem_shared>> -> memref<1304576xf32, #tpu.memory_space<vmem_shared>>
    tpu.wait_indirect_dma semaphore(%arg8 : memref<!tpu.dma_semaphore, #tpu.memory_space<semaphore_mem>>) src(%arg5 : memref<128xf32, #tpu.memory_space<vmem>>) dst(%dma_wait3A_422 : memref<1304576xf32, #tpu.memory_space<vmem_shared>>)
    %dma_wait3A_423 = arith.constant 5 : i32
    %dma_wait3A_424 = arith.constant 1 : i32
    %dma_wait3A_425 = arith.constant 0 : i32
    %dma_wait3A_426 = tpu.memref_slice %arg4[%dma_wait3A_423, %dma_wait3A_424, %dma_wait3A_425] : memref<13x2x128xi32, #tpu.memory_space<vmem>> -> memref<1x1x128xi32, #tpu.memory_space<vmem>>
    %dma_wait3A_427 = tpu.memref_squeeze %dma_wait3A_426 : memref<1x1x128xi32, #tpu.memory_space<vmem>> -> memref<128xi32, #tpu.memory_space<vmem>>
    %dma_wait3A_428 = arith.constant 0 : i32
    %dma_wait3A_429 = tpu.memref_slice %arg7[%dma_wait3A_428] : memref<1304576xf32, #tpu.memory_space<vmem_shared>> -> memref<1304576xf32, #tpu.memory_space<vmem_shared>>
    tpu.wait_indirect_dma semaphore(%arg8 : memref<!tpu.dma_semaphore, #tpu.memory_space<semaphore_mem>>) src(%arg5 : memref<128xf32, #tpu.memory_space<vmem>>) dst(%dma_wait3A_429 : memref<1304576xf32, #tpu.memory_space<vmem_shared>>)
    %dma_wait3A_430 = arith.constant 6 : i32
    %dma_wait3A_431 = arith.constant 0 : i32
    %dma_wait3A_432 = arith.constant 0 : i32
    %dma_wait3A_433 = tpu.memref_slice %arg4[%dma_wait3A_430, %dma_wait3A_431, %dma_wait3A_432] : memref<13x2x128xi32, #tpu.memory_space<vmem>> -> memref<1x1x128xi32, #tpu.memory_space<vmem>>
    %dma_wait3A_434 = tpu.memref_squeeze %dma_wait3A_433 : memref<1x1x128xi32, #tpu.memory_space<vmem>> -> memref<128xi32, #tpu.memory_space<vmem>>
    %dma_wait3A_435 = arith.constant 0 : i32
    %dma_wait3A_436 = tpu.memref_slice %arg7[%dma_wait3A_435] : memref<1304576xf32, #tpu.memory_space<vmem_shared>> -> memref<1304576xf32, #tpu.memory_space<vmem_shared>>
    tpu.wait_indirect_dma semaphore(%arg8 : memref<!tpu.dma_semaphore, #tpu.memory_space<semaphore_mem>>) src(%arg5 : memref<128xf32, #tpu.memory_space<vmem>>) dst(%dma_wait3A_436 : memref<1304576xf32, #tpu.memory_space<vmem_shared>>)
    %dma_wait3A_437 = arith.constant 6 : i32
    %dma_wait3A_438 = arith.constant 1 : i32
    %dma_wait3A_439 = arith.constant 0 : i32
    %dma_wait3A_440 = tpu.memref_slice %arg4[%dma_wait3A_437, %dma_wait3A_438, %dma_wait3A_439] : memref<13x2x128xi32, #tpu.memory_space<vmem>> -> memref<1x1x128xi32, #tpu.memory_space<vmem>>
    %dma_wait3A_441 = tpu.memref_squeeze %dma_wait3A_440 : memref<1x1x128xi32, #tpu.memory_space<vmem>> -> memref<128xi32, #tpu.memory_space<vmem>>
    %dma_wait3A_442 = arith.constant 0 : i32
    %dma_wait3A_443 = tpu.memref_slice %arg7[%dma_wait3A_442] : memref<1304576xf32, #tpu.memory_space<vmem_shared>> -> memref<1304576xf32, #tpu.memory_space<vmem_shared>>
    tpu.wait_indirect_dma semaphore(%arg8 : memref<!tpu.dma_semaphore, #tpu.memory_space<semaphore_mem>>) src(%arg5 : memref<128xf32, #tpu.memory_space<vmem>>) dst(%dma_wait3A_443 : memref<1304576xf32, #tpu.memory_space<vmem_shared>>)
    %dma_wait3A_444 = arith.constant 7 : i32
    %dma_wait3A_445 = arith.constant 0 : i32
    %dma_wait3A_446 = arith.constant 0 : i32
    %dma_wait3A_447 = tpu.memref_slice %arg4[%dma_wait3A_444, %dma_wait3A_445, %dma_wait3A_446] : memref<13x2x128xi32, #tpu.memory_space<vmem>> -> memref<1x1x128xi32, #tpu.memory_space<vmem>>
    %dma_wait3A_448 = tpu.memref_squeeze %dma_wait3A_447 : memref<1x1x128xi32, #tpu.memory_space<vmem>> -> memref<128xi32, #tpu.memory_space<vmem>>
    %dma_wait3A_449 = arith.constant 0 : i32
    %dma_wait3A_450 = tpu.memref_slice %arg7[%dma_wait3A_449] : memref<1304576xf32, #tpu.memory_space<vmem_shared>> -> memref<1304576xf32, #tpu.memory_space<vmem_shared>>
    tpu.wait_indirect_dma semaphore(%arg8 : memref<!tpu.dma_semaphore, #tpu.memory_space<semaphore_mem>>) src(%arg5 : memref<128xf32, #tpu.memory_space<vmem>>) dst(%dma_wait3A_450 : memref<1304576xf32, #tpu.memory_space<vmem_shared>>)
    %dma_wait3A_451 = arith.constant 7 : i32
    %dma_wait3A_452 = arith.constant 1 : i32
    %dma_wait3A_453 = arith.constant 0 : i32
    %dma_wait3A_454 = tpu.memref_slice %arg4[%dma_wait3A_451, %dma_wait3A_452, %dma_wait3A_453] : memref<13x2x128xi32, #tpu.memory_space<vmem>> -> memref<1x1x128xi32, #tpu.memory_space<vmem>>
    %dma_wait3A_455 = tpu.memref_squeeze %dma_wait3A_454 : memref<1x1x128xi32, #tpu.memory_space<vmem>> -> memref<128xi32, #tpu.memory_space<vmem>>
    %dma_wait3A_456 = arith.constant 0 : i32
    %dma_wait3A_457 = tpu.memref_slice %arg7[%dma_wait3A_456] : memref<1304576xf32, #tpu.memory_space<vmem_shared>> -> memref<1304576xf32, #tpu.memory_space<vmem_shared>>
    tpu.wait_indirect_dma semaphore(%arg8 : memref<!tpu.dma_semaphore, #tpu.memory_space<semaphore_mem>>) src(%arg5 : memref<128xf32, #tpu.memory_space<vmem>>) dst(%dma_wait3A_457 : memref<1304576xf32, #tpu.memory_space<vmem_shared>>)
    %dma_wait3A_458 = arith.constant 8 : i32
    %dma_wait3A_459 = arith.constant 0 : i32
    %dma_wait3A_460 = arith.constant 0 : i32
    %dma_wait3A_461 = tpu.memref_slice %arg4[%dma_wait3A_458, %dma_wait3A_459, %dma_wait3A_460] : memref<13x2x128xi32, #tpu.memory_space<vmem>> -> memref<1x1x128xi32, #tpu.memory_space<vmem>>
    %dma_wait3A_462 = tpu.memref_squeeze %dma_wait3A_461 : memref<1x1x128xi32, #tpu.memory_space<vmem>> -> memref<128xi32, #tpu.memory_space<vmem>>
    %dma_wait3A_463 = arith.constant 0 : i32
    %dma_wait3A_464 = tpu.memref_slice %arg7[%dma_wait3A_463] : memref<1304576xf32, #tpu.memory_space<vmem_shared>> -> memref<1304576xf32, #tpu.memory_space<vmem_shared>>
    tpu.wait_indirect_dma semaphore(%arg8 : memref<!tpu.dma_semaphore, #tpu.memory_space<semaphore_mem>>) src(%arg5 : memref<128xf32, #tpu.memory_space<vmem>>) dst(%dma_wait3A_464 : memref<1304576xf32, #tpu.memory_space<vmem_shared>>)
    %dma_wait3A_465 = arith.constant 8 : i32
    %dma_wait3A_466 = arith.constant 1 : i32
    %dma_wait3A_467 = arith.constant 0 : i32
    %dma_wait3A_468 = tpu.memref_slice %arg4[%dma_wait3A_465, %dma_wait3A_466, %dma_wait3A_467] : memref<13x2x128xi32, #tpu.memory_space<vmem>> -> memref<1x1x128xi32, #tpu.memory_space<vmem>>
    %dma_wait3A_469 = tpu.memref_squeeze %dma_wait3A_468 : memref<1x1x128xi32, #tpu.memory_space<vmem>> -> memref<128xi32, #tpu.memory_space<vmem>>
    %dma_wait3A_470 = arith.constant 0 : i32
    %dma_wait3A_471 = tpu.memref_slice %arg7[%dma_wait3A_470] : memref<1304576xf32, #tpu.memory_space<vmem_shared>> -> memref<1304576xf32, #tpu.memory_space<vmem_shared>>
    tpu.wait_indirect_dma semaphore(%arg8 : memref<!tpu.dma_semaphore, #tpu.memory_space<semaphore_mem>>) src(%arg5 : memref<128xf32, #tpu.memory_space<vmem>>) dst(%dma_wait3A_471 : memref<1304576xf32, #tpu.memory_space<vmem_shared>>)
    %dma_wait3A_472 = arith.constant 9 : i32
    %dma_wait3A_473 = arith.constant 0 : i32
    %dma_wait3A_474 = arith.constant 0 : i32
    %dma_wait3A_475 = tpu.memref_slice %arg4[%dma_wait3A_472, %dma_wait3A_473, %dma_wait3A_474] : memref<13x2x128xi32, #tpu.memory_space<vmem>> -> memref<1x1x128xi32, #tpu.memory_space<vmem>>
    %dma_wait3A_476 = tpu.memref_squeeze %dma_wait3A_475 : memref<1x1x128xi32, #tpu.memory_space<vmem>> -> memref<128xi32, #tpu.memory_space<vmem>>
    %dma_wait3A_477 = arith.constant 0 : i32
    %dma_wait3A_478 = tpu.memref_slice %arg7[%dma_wait3A_477] : memref<1304576xf32, #tpu.memory_space<vmem_shared>> -> memref<1304576xf32, #tpu.memory_space<vmem_shared>>
    tpu.wait_indirect_dma semaphore(%arg8 : memref<!tpu.dma_semaphore, #tpu.memory_space<semaphore_mem>>) src(%arg5 : memref<128xf32, #tpu.memory_space<vmem>>) dst(%dma_wait3A_478 : memref<1304576xf32, #tpu.memory_space<vmem_shared>>)
    %dma_wait3A_479 = arith.constant 9 : i32
    %dma_wait3A_480 = arith.constant 1 : i32
    %dma_wait3A_481 = arith.constant 0 : i32
    %dma_wait3A_482 = tpu.memref_slice %arg4[%dma_wait3A_479, %dma_wait3A_480, %dma_wait3A_481] : memref<13x2x128xi32, #tpu.memory_space<vmem>> -> memref<1x1x128xi32, #tpu.memory_space<vmem>>
    %dma_wait3A_483 = tpu.memref_squeeze %dma_wait3A_482 : memref<1x1x128xi32, #tpu.memory_space<vmem>> -> memref<128xi32, #tpu.memory_space<vmem>>
    %dma_wait3A_484 = arith.constant 0 : i32
    %dma_wait3A_485 = tpu.memref_slice %arg7[%dma_wait3A_484] : memref<1304576xf32, #tpu.memory_space<vmem_shared>> -> memref<1304576xf32, #tpu.memory_space<vmem_shared>>
    tpu.wait_indirect_dma semaphore(%arg8 : memref<!tpu.dma_semaphore, #tpu.memory_space<semaphore_mem>>) src(%arg5 : memref<128xf32, #tpu.memory_space<vmem>>) dst(%dma_wait3A_485 : memref<1304576xf32, #tpu.memory_space<vmem_shared>>)
    %dma_wait3A_486 = arith.constant 10 : i32
    %dma_wait3A_487 = arith.constant 0 : i32
    %dma_wait3A_488 = arith.constant 0 : i32
    %dma_wait3A_489 = tpu.memref_slice %arg4[%dma_wait3A_486, %dma_wait3A_487, %dma_wait3A_488] : memref<13x2x128xi32, #tpu.memory_space<vmem>> -> memref<1x1x128xi32, #tpu.memory_space<vmem>>
    %dma_wait3A_490 = tpu.memref_squeeze %dma_wait3A_489 : memref<1x1x128xi32, #tpu.memory_space<vmem>> -> memref<128xi32, #tpu.memory_space<vmem>>
    %dma_wait3A_491 = arith.constant 0 : i32
    %dma_wait3A_492 = tpu.memref_slice %arg7[%dma_wait3A_491] : memref<1304576xf32, #tpu.memory_space<vmem_shared>> -> memref<1304576xf32, #tpu.memory_space<vmem_shared>>
    tpu.wait_indirect_dma semaphore(%arg8 : memref<!tpu.dma_semaphore, #tpu.memory_space<semaphore_mem>>) src(%arg5 : memref<128xf32, #tpu.memory_space<vmem>>) dst(%dma_wait3A_492 : memref<1304576xf32, #tpu.memory_space<vmem_shared>>)
    %dma_wait3A_493 = arith.constant 10 : i32
    %dma_wait3A_494 = arith.constant 1 : i32
    %dma_wait3A_495 = arith.constant 0 : i32
    %dma_wait3A_496 = tpu.memref_slice %arg4[%dma_wait3A_493, %dma_wait3A_494, %dma_wait3A_495] : memref<13x2x128xi32, #tpu.memory_space<vmem>> -> memref<1x1x128xi32, #tpu.memory_space<vmem>>
    %dma_wait3A_497 = tpu.memref_squeeze %dma_wait3A_496 : memref<1x1x128xi32, #tpu.memory_space<vmem>> -> memref<128xi32, #tpu.memory_space<vmem>>
    %dma_wait3A_498 = arith.constant 0 : i32
    %dma_wait3A_499 = tpu.memref_slice %arg7[%dma_wait3A_498] : memref<1304576xf32, #tpu.memory_space<vmem_shared>> -> memref<1304576xf32, #tpu.memory_space<vmem_shared>>
    tpu.wait_indirect_dma semaphore(%arg8 : memref<!tpu.dma_semaphore, #tpu.memory_space<semaphore_mem>>) src(%arg5 : memref<128xf32, #tpu.memory_space<vmem>>) dst(%dma_wait3A_499 : memref<1304576xf32, #tpu.memory_space<vmem_shared>>)
    %dma_wait3A_500 = arith.constant 11 : i32
    %dma_wait3A_501 = arith.constant 0 : i32
    %dma_wait3A_502 = arith.constant 0 : i32
    %dma_wait3A_503 = tpu.memref_slice %arg4[%dma_wait3A_500, %dma_wait3A_501, %dma_wait3A_502] : memref<13x2x128xi32, #tpu.memory_space<vmem>> -> memref<1x1x128xi32, #tpu.memory_space<vmem>>
    %dma_wait3A_504 = tpu.memref_squeeze %dma_wait3A_503 : memref<1x1x128xi32, #tpu.memory_space<vmem>> -> memref<128xi32, #tpu.memory_space<vmem>>
    %dma_wait3A_505 = arith.constant 0 : i32
    %dma_wait3A_506 = tpu.memref_slice %arg7[%dma_wait3A_505] : memref<1304576xf32, #tpu.memory_space<vmem_shared>> -> memref<1304576xf32, #tpu.memory_space<vmem_shared>>
    tpu.wait_indirect_dma semaphore(%arg8 : memref<!tpu.dma_semaphore, #tpu.memory_space<semaphore_mem>>) src(%arg5 : memref<128xf32, #tpu.memory_space<vmem>>) dst(%dma_wait3A_506 : memref<1304576xf32, #tpu.memory_space<vmem_shared>>)
    %dma_wait3A_507 = arith.constant 11 : i32
    %dma_wait3A_508 = arith.constant 1 : i32
    %dma_wait3A_509 = arith.constant 0 : i32
    %dma_wait3A_510 = tpu.memref_slice %arg4[%dma_wait3A_507, %dma_wait3A_508, %dma_wait3A_509] : memref<13x2x128xi32, #tpu.memory_space<vmem>> -> memref<1x1x128xi32, #tpu.memory_space<vmem>>
    %dma_wait3A_511 = tpu.memref_squeeze %dma_wait3A_510 : memref<1x1x128xi32, #tpu.memory_space<vmem>> -> memref<128xi32, #tpu.memory_space<vmem>>
    %dma_wait3A_512 = arith.constant 0 : i32
    %dma_wait3A_513 = tpu.memref_slice %arg7[%dma_wait3A_512] : memref<1304576xf32, #tpu.memory_space<vmem_shared>> -> memref<1304576xf32, #tpu.memory_space<vmem_shared>>
    tpu.wait_indirect_dma semaphore(%arg8 : memref<!tpu.dma_semaphore, #tpu.memory_space<semaphore_mem>>) src(%arg5 : memref<128xf32, #tpu.memory_space<vmem>>) dst(%dma_wait3A_513 : memref<1304576xf32, #tpu.memory_space<vmem_shared>>)
    %dma_wait3A_514 = arith.constant 12 : i32
    %dma_wait3A_515 = arith.constant 0 : i32
    %dma_wait3A_516 = arith.constant 0 : i32
    %dma_wait3A_517 = tpu.memref_slice %arg4[%dma_wait3A_514, %dma_wait3A_515, %dma_wait3A_516] : memref<13x2x128xi32, #tpu.memory_space<vmem>> -> memref<1x1x128xi32, #tpu.memory_space<vmem>>
    %dma_wait3A_518 = tpu.memref_squeeze %dma_wait3A_517 : memref<1x1x128xi32, #tpu.memory_space<vmem>> -> memref<128xi32, #tpu.memory_space<vmem>>
    %dma_wait3A_519 = arith.constant 0 : i32
    %dma_wait3A_520 = tpu.memref_slice %arg7[%dma_wait3A_519] : memref<1304576xf32, #tpu.memory_space<vmem_shared>> -> memref<1304576xf32, #tpu.memory_space<vmem_shared>>
    tpu.wait_indirect_dma semaphore(%arg8 : memref<!tpu.dma_semaphore, #tpu.memory_space<semaphore_mem>>) src(%arg5 : memref<128xf32, #tpu.memory_space<vmem>>) dst(%dma_wait3A_520 : memref<1304576xf32, #tpu.memory_space<vmem_shared>>)
    %dma_wait3A_521 = arith.constant 12 : i32
    %dma_wait3A_522 = arith.constant 1 : i32
    %dma_wait3A_523 = arith.constant 0 : i32
    %dma_wait3A_524 = tpu.memref_slice %arg4[%dma_wait3A_521, %dma_wait3A_522, %dma_wait3A_523] : memref<13x2x128xi32, #tpu.memory_space<vmem>> -> memref<1x1x128xi32, #tpu.memory_space<vmem>>
    %dma_wait3A_525 = tpu.memref_squeeze %dma_wait3A_524 : memref<1x1x128xi32, #tpu.memory_space<vmem>> -> memref<128xi32, #tpu.memory_space<vmem>>
    %dma_wait3A_526 = arith.constant 0 : i32
    %dma_wait3A_527 = tpu.memref_slice %arg7[%dma_wait3A_526] : memref<1304576xf32, #tpu.memory_space<vmem_shared>> -> memref<1304576xf32, #tpu.memory_space<vmem_shared>>
    tpu.wait_indirect_dma semaphore(%arg8 : memref<!tpu.dma_semaphore, #tpu.memory_space<semaphore_mem>>) src(%arg5 : memref<128xf32, #tpu.memory_space<vmem>>) dst(%dma_wait3A_527 : memref<1304576xf32, #tpu.memory_space<vmem_shared>>)
    %barrier3A_528 = arith.constant 0 : index
    tpu.barrier barrier_id(%barrier3A_528)
    %mul3A_529 = arith.constant 6272 : i32
    %mul3A_530 = arith.muli %arg1, %mul3A_529 : i32
    %add3A_531 = arith.constant 0 : i32
    %add3A_532 = arith.addi %add3A_531, %mul3A_530 : i32
    %mul3A_533 = arith.constant 13 : i32
    %mul3A_534 = arith.muli %arg0, %mul3A_533 : i32
    %add3A_535 = arith.constant 0 : i32
    %add3A_536 = arith.addi %mul3A_534, %add3A_535 : i32
    %mul3A_537 = arith.constant 100352 : i32
    %mul3A_538 = arith.muli %add3A_536, %mul3A_537 : i32
    %mul3A_539 = arith.constant 6272 : i32
    %mul3A_540 = arith.muli %arg1, %mul3A_539 : i32
    %add3A_541 = arith.addi %mul3A_538, %mul3A_540 : i32
    %dma_start3A_542 = tpu.memref_slice %arg3[%add3A_541] : memref<2609152xf32, #tpu.memory_space<hbm>> -> memref<6272xf32, #tpu.memory_space<hbm>>
    %dma_start3A_543 = tpu.memref_slice %arg7[%add3A_532] : memref<1304576xf32, #tpu.memory_space<vmem_shared>> -> memref<6272xf32, #tpu.memory_space<vmem_shared>>
    tpu.enqueue_dma source(%dma_start3A_543 : memref<6272xf32, #tpu.memory_space<vmem_shared>>) target(%dma_start3A_542 : memref<6272xf32, #tpu.memory_space<hbm>>) target_semaphore(%arg8 : memref<!tpu.dma_semaphore, #tpu.memory_space<semaphore_mem>>)
    %mul3A_544 = arith.constant 6272 : i32
    %mul3A_545 = arith.muli %arg1, %mul3A_544 : i32
    %add3A_546 = arith.constant 100352 : i32
    %add3A_547 = arith.addi %add3A_546, %mul3A_545 : i32
    %mul3A_548 = arith.constant 13 : i32
    %mul3A_549 = arith.muli %arg0, %mul3A_548 : i32
    %add3A_550 = arith.constant 1 : i32
    %add3A_551 = arith.addi %mul3A_549, %add3A_550 : i32
    %mul3A_552 = arith.constant 100352 : i32
    %mul3A_553 = arith.muli %add3A_551, %mul3A_552 : i32
    %mul3A_554 = arith.constant 6272 : i32
    %mul3A_555 = arith.muli %arg1, %mul3A_554 : i32
    %add3A_556 = arith.addi %mul3A_553, %mul3A_555 : i32
    %dma_start3A_557 = tpu.memref_slice %arg3[%add3A_556] : memref<2609152xf32, #tpu.memory_space<hbm>> -> memref<6272xf32, #tpu.memory_space<hbm>>
    %dma_start3A_558 = tpu.memref_slice %arg7[%add3A_547] : memref<1304576xf32, #tpu.memory_space<vmem_shared>> -> memref<6272xf32, #tpu.memory_space<vmem_shared>>
    tpu.enqueue_dma source(%dma_start3A_558 : memref<6272xf32, #tpu.memory_space<vmem_shared>>) target(%dma_start3A_557 : memref<6272xf32, #tpu.memory_space<hbm>>) target_semaphore(%arg8 : memref<!tpu.dma_semaphore, #tpu.memory_space<semaphore_mem>>)
    %mul3A_559 = arith.constant 6272 : i32
    %mul3A_560 = arith.muli %arg1, %mul3A_559 : i32
    %add3A_561 = arith.constant 200704 : i32
    %add3A_562 = arith.addi %add3A_561, %mul3A_560 : i32
    %mul3A_563 = arith.constant 13 : i32
    %mul3A_564 = arith.muli %arg0, %mul3A_563 : i32
    %add3A_565 = arith.constant 2 : i32
    %add3A_566 = arith.addi %mul3A_564, %add3A_565 : i32
    %mul3A_567 = arith.constant 100352 : i32
    %mul3A_568 = arith.muli %add3A_566, %mul3A_567 : i32
    %mul3A_569 = arith.constant 6272 : i32
    %mul3A_570 = arith.muli %arg1, %mul3A_569 : i32
    %add3A_571 = arith.addi %mul3A_568, %mul3A_570 : i32
    %dma_start3A_572 = tpu.memref_slice %arg3[%add3A_571] : memref<2609152xf32, #tpu.memory_space<hbm>> -> memref<6272xf32, #tpu.memory_space<hbm>>
    %dma_start3A_573 = tpu.memref_slice %arg7[%add3A_562] : memref<1304576xf32, #tpu.memory_space<vmem_shared>> -> memref<6272xf32, #tpu.memory_space<vmem_shared>>
    tpu.enqueue_dma source(%dma_start3A_573 : memref<6272xf32, #tpu.memory_space<vmem_shared>>) target(%dma_start3A_572 : memref<6272xf32, #tpu.memory_space<hbm>>) target_semaphore(%arg8 : memref<!tpu.dma_semaphore, #tpu.memory_space<semaphore_mem>>)
    %mul3A_574 = arith.constant 6272 : i32
    %mul3A_575 = arith.muli %arg1, %mul3A_574 : i32
    %add3A_576 = arith.constant 301056 : i32
    %add3A_577 = arith.addi %add3A_576, %mul3A_575 : i32
    %mul3A_578 = arith.constant 13 : i32
    %mul3A_579 = arith.muli %arg0, %mul3A_578 : i32
    %add3A_580 = arith.constant 3 : i32
    %add3A_581 = arith.addi %mul3A_579, %add3A_580 : i32
    %mul3A_582 = arith.constant 100352 : i32
    %mul3A_583 = arith.muli %add3A_581, %mul3A_582 : i32
    %mul3A_584 = arith.constant 6272 : i32
    %mul3A_585 = arith.muli %arg1, %mul3A_584 : i32
    %add3A_586 = arith.addi %mul3A_583, %mul3A_585 : i32
    %dma_start3A_587 = tpu.memref_slice %arg3[%add3A_586] : memref<2609152xf32, #tpu.memory_space<hbm>> -> memref<6272xf32, #tpu.memory_space<hbm>>
    %dma_start3A_588 = tpu.memref_slice %arg7[%add3A_577] : memref<1304576xf32, #tpu.memory_space<vmem_shared>> -> memref<6272xf32, #tpu.memory_space<vmem_shared>>
    tpu.enqueue_dma source(%dma_start3A_588 : memref<6272xf32, #tpu.memory_space<vmem_shared>>) target(%dma_start3A_587 : memref<6272xf32, #tpu.memory_space<hbm>>) target_semaphore(%arg8 : memref<!tpu.dma_semaphore, #tpu.memory_space<semaphore_mem>>)
    %mul3A_589 = arith.constant 6272 : i32
    %mul3A_590 = arith.muli %arg1, %mul3A_589 : i32
    %add3A_591 = arith.constant 401408 : i32
    %add3A_592 = arith.addi %add3A_591, %mul3A_590 : i32
    %mul3A_593 = arith.constant 13 : i32
    %mul3A_594 = arith.muli %arg0, %mul3A_593 : i32
    %add3A_595 = arith.constant 4 : i32
    %add3A_596 = arith.addi %mul3A_594, %add3A_595 : i32
    %mul3A_597 = arith.constant 100352 : i32
    %mul3A_598 = arith.muli %add3A_596, %mul3A_597 : i32
    %mul3A_599 = arith.constant 6272 : i32
    %mul3A_600 = arith.muli %arg1, %mul3A_599 : i32
    %add3A_601 = arith.addi %mul3A_598, %mul3A_600 : i32
    %dma_start3A_602 = tpu.memref_slice %arg3[%add3A_601] : memref<2609152xf32, #tpu.memory_space<hbm>> -> memref<6272xf32, #tpu.memory_space<hbm>>
    %dma_start3A_603 = tpu.memref_slice %arg7[%add3A_592] : memref<1304576xf32, #tpu.memory_space<vmem_shared>> -> memref<6272xf32, #tpu.memory_space<vmem_shared>>
    tpu.enqueue_dma source(%dma_start3A_603 : memref<6272xf32, #tpu.memory_space<vmem_shared>>) target(%dma_start3A_602 : memref<6272xf32, #tpu.memory_space<hbm>>) target_semaphore(%arg8 : memref<!tpu.dma_semaphore, #tpu.memory_space<semaphore_mem>>)
    %mul3A_604 = arith.constant 6272 : i32
    %mul3A_605 = arith.muli %arg1, %mul3A_604 : i32
    %add3A_606 = arith.constant 501760 : i32
    %add3A_607 = arith.addi %add3A_606, %mul3A_605 : i32
    %mul3A_608 = arith.constant 13 : i32
    %mul3A_609 = arith.muli %arg0, %mul3A_608 : i32
    %add3A_610 = arith.constant 5 : i32
    %add3A_611 = arith.addi %mul3A_609, %add3A_610 : i32
    %mul3A_612 = arith.constant 100352 : i32
    %mul3A_613 = arith.muli %add3A_611, %mul3A_612 : i32
    %mul3A_614 = arith.constant 6272 : i32
    %mul3A_615 = arith.muli %arg1, %mul3A_614 : i32
    %add3A_616 = arith.addi %mul3A_613, %mul3A_615 : i32
    %dma_start3A_617 = tpu.memref_slice %arg3[%add3A_616] : memref<2609152xf32, #tpu.memory_space<hbm>> -> memref<6272xf32, #tpu.memory_space<hbm>>
    %dma_start3A_618 = tpu.memref_slice %arg7[%add3A_607] : memref<1304576xf32, #tpu.memory_space<vmem_shared>> -> memref<6272xf32, #tpu.memory_space<vmem_shared>>
    tpu.enqueue_dma source(%dma_start3A_618 : memref<6272xf32, #tpu.memory_space<vmem_shared>>) target(%dma_start3A_617 : memref<6272xf32, #tpu.memory_space<hbm>>) target_semaphore(%arg8 : memref<!tpu.dma_semaphore, #tpu.memory_space<semaphore_mem>>)
    %mul3A_619 = arith.constant 6272 : i32
    %mul3A_620 = arith.muli %arg1, %mul3A_619 : i32
    %add3A_621 = arith.constant 602112 : i32
    %add3A_622 = arith.addi %add3A_621, %mul3A_620 : i32
    %mul3A_623 = arith.constant 13 : i32
    %mul3A_624 = arith.muli %arg0, %mul3A_623 : i32
    %add3A_625 = arith.constant 6 : i32
    %add3A_626 = arith.addi %mul3A_624, %add3A_625 : i32
    %mul3A_627 = arith.constant 100352 : i32
    %mul3A_628 = arith.muli %add3A_626, %mul3A_627 : i32
    %mul3A_629 = arith.constant 6272 : i32
    %mul3A_630 = arith.muli %arg1, %mul3A_629 : i32
    %add3A_631 = arith.addi %mul3A_628, %mul3A_630 : i32
    %dma_start3A_632 = tpu.memref_slice %arg3[%add3A_631] : memref<2609152xf32, #tpu.memory_space<hbm>> -> memref<6272xf32, #tpu.memory_space<hbm>>
    %dma_start3A_633 = tpu.memref_slice %arg7[%add3A_622] : memref<1304576xf32, #tpu.memory_space<vmem_shared>> -> memref<6272xf32, #tpu.memory_space<vmem_shared>>
    tpu.enqueue_dma source(%dma_start3A_633 : memref<6272xf32, #tpu.memory_space<vmem_shared>>) target(%dma_start3A_632 : memref<6272xf32, #tpu.memory_space<hbm>>) target_semaphore(%arg8 : memref<!tpu.dma_semaphore, #tpu.memory_space<semaphore_mem>>)
    %mul3A_634 = arith.constant 6272 : i32
    %mul3A_635 = arith.muli %arg1, %mul3A_634 : i32
    %add3A_636 = arith.constant 702464 : i32
    %add3A_637 = arith.addi %add3A_636, %mul3A_635 : i32
    %mul3A_638 = arith.constant 13 : i32
    %mul3A_639 = arith.muli %arg0, %mul3A_638 : i32
    %add3A_640 = arith.constant 7 : i32
    %add3A_641 = arith.addi %mul3A_639, %add3A_640 : i32
    %mul3A_642 = arith.constant 100352 : i32
    %mul3A_643 = arith.muli %add3A_641, %mul3A_642 : i32
    %mul3A_644 = arith.constant 6272 : i32
    %mul3A_645 = arith.muli %arg1, %mul3A_644 : i32
    %add3A_646 = arith.addi %mul3A_643, %mul3A_645 : i32
    %dma_start3A_647 = tpu.memref_slice %arg3[%add3A_646] : memref<2609152xf32, #tpu.memory_space<hbm>> -> memref<6272xf32, #tpu.memory_space<hbm>>
    %dma_start3A_648 = tpu.memref_slice %arg7[%add3A_637] : memref<1304576xf32, #tpu.memory_space<vmem_shared>> -> memref<6272xf32, #tpu.memory_space<vmem_shared>>
    tpu.enqueue_dma source(%dma_start3A_648 : memref<6272xf32, #tpu.memory_space<vmem_shared>>) target(%dma_start3A_647 : memref<6272xf32, #tpu.memory_space<hbm>>) target_semaphore(%arg8 : memref<!tpu.dma_semaphore, #tpu.memory_space<semaphore_mem>>)
    %mul3A_649 = arith.constant 6272 : i32
    %mul3A_650 = arith.muli %arg1, %mul3A_649 : i32
    %add3A_651 = arith.constant 802816 : i32
    %add3A_652 = arith.addi %add3A_651, %mul3A_650 : i32
    %mul3A_653 = arith.constant 13 : i32
    %mul3A_654 = arith.muli %arg0, %mul3A_653 : i32
    %add3A_655 = arith.constant 8 : i32
    %add3A_656 = arith.addi %mul3A_654, %add3A_655 : i32
    %mul3A_657 = arith.constant 100352 : i32
    %mul3A_658 = arith.muli %add3A_656, %mul3A_657 : i32
    %mul3A_659 = arith.constant 6272 : i32
    %mul3A_660 = arith.muli %arg1, %mul3A_659 : i32
    %add3A_661 = arith.addi %mul3A_658, %mul3A_660 : i32
    %dma_start3A_662 = tpu.memref_slice %arg3[%add3A_661] : memref<2609152xf32, #tpu.memory_space<hbm>> -> memref<6272xf32, #tpu.memory_space<hbm>>
    %dma_start3A_663 = tpu.memref_slice %arg7[%add3A_652] : memref<1304576xf32, #tpu.memory_space<vmem_shared>> -> memref<6272xf32, #tpu.memory_space<vmem_shared>>
    tpu.enqueue_dma source(%dma_start3A_663 : memref<6272xf32, #tpu.memory_space<vmem_shared>>) target(%dma_start3A_662 : memref<6272xf32, #tpu.memory_space<hbm>>) target_semaphore(%arg8 : memref<!tpu.dma_semaphore, #tpu.memory_space<semaphore_mem>>)
    %mul3A_664 = arith.constant 6272 : i32
    %mul3A_665 = arith.muli %arg1, %mul3A_664 : i32
    %add3A_666 = arith.constant 903168 : i32
    %add3A_667 = arith.addi %add3A_666, %mul3A_665 : i32
    %mul3A_668 = arith.constant 13 : i32
    %mul3A_669 = arith.muli %arg0, %mul3A_668 : i32
    %add3A_670 = arith.constant 9 : i32
    %add3A_671 = arith.addi %mul3A_669, %add3A_670 : i32
    %mul3A_672 = arith.constant 100352 : i32
    %mul3A_673 = arith.muli %add3A_671, %mul3A_672 : i32
    %mul3A_674 = arith.constant 6272 : i32
    %mul3A_675 = arith.muli %arg1, %mul3A_674 : i32
    %add3A_676 = arith.addi %mul3A_673, %mul3A_675 : i32
    %dma_start3A_677 = tpu.memref_slice %arg3[%add3A_676] : memref<2609152xf32, #tpu.memory_space<hbm>> -> memref<6272xf32, #tpu.memory_space<hbm>>
    %dma_start3A_678 = tpu.memref_slice %arg7[%add3A_667] : memref<1304576xf32, #tpu.memory_space<vmem_shared>> -> memref<6272xf32, #tpu.memory_space<vmem_shared>>
    tpu.enqueue_dma source(%dma_start3A_678 : memref<6272xf32, #tpu.memory_space<vmem_shared>>) target(%dma_start3A_677 : memref<6272xf32, #tpu.memory_space<hbm>>) target_semaphore(%arg8 : memref<!tpu.dma_semaphore, #tpu.memory_space<semaphore_mem>>)
    %mul3A_679 = arith.constant 6272 : i32
    %mul3A_680 = arith.muli %arg1, %mul3A_679 : i32
    %add3A_681 = arith.constant 1003520 : i32
    %add3A_682 = arith.addi %add3A_681, %mul3A_680 : i32
    %mul3A_683 = arith.constant 13 : i32
    %mul3A_684 = arith.muli %arg0, %mul3A_683 : i32
    %add3A_685 = arith.constant 10 : i32
    %add3A_686 = arith.addi %mul3A_684, %add3A_685 : i32
    %mul3A_687 = arith.constant 100352 : i32
    %mul3A_688 = arith.muli %add3A_686, %mul3A_687 : i32
    %mul3A_689 = arith.constant 6272 : i32
    %mul3A_690 = arith.muli %arg1, %mul3A_689 : i32
    %add3A_691 = arith.addi %mul3A_688, %mul3A_690 : i32
    %dma_start3A_692 = tpu.memref_slice %arg3[%add3A_691] : memref<2609152xf32, #tpu.memory_space<hbm>> -> memref<6272xf32, #tpu.memory_space<hbm>>
    %dma_start3A_693 = tpu.memref_slice %arg7[%add3A_682] : memref<1304576xf32, #tpu.memory_space<vmem_shared>> -> memref<6272xf32, #tpu.memory_space<vmem_shared>>
    tpu.enqueue_dma source(%dma_start3A_693 : memref<6272xf32, #tpu.memory_space<vmem_shared>>) target(%dma_start3A_692 : memref<6272xf32, #tpu.memory_space<hbm>>) target_semaphore(%arg8 : memref<!tpu.dma_semaphore, #tpu.memory_space<semaphore_mem>>)
    %mul3A_694 = arith.constant 6272 : i32
    %mul3A_695 = arith.muli %arg1, %mul3A_694 : i32
    %add3A_696 = arith.constant 1103872 : i32
    %add3A_697 = arith.addi %add3A_696, %mul3A_695 : i32
    %mul3A_698 = arith.constant 13 : i32
    %mul3A_699 = arith.muli %arg0, %mul3A_698 : i32
    %add3A_700 = arith.constant 11 : i32
    %add3A_701 = arith.addi %mul3A_699, %add3A_700 : i32
    %mul3A_702 = arith.constant 100352 : i32
    %mul3A_703 = arith.muli %add3A_701, %mul3A_702 : i32
    %mul3A_704 = arith.constant 6272 : i32
    %mul3A_705 = arith.muli %arg1, %mul3A_704 : i32
    %add3A_706 = arith.addi %mul3A_703, %mul3A_705 : i32
    %dma_start3A_707 = tpu.memref_slice %arg3[%add3A_706] : memref<2609152xf32, #tpu.memory_space<hbm>> -> memref<6272xf32, #tpu.memory_space<hbm>>
    %dma_start3A_708 = tpu.memref_slice %arg7[%add3A_697] : memref<1304576xf32, #tpu.memory_space<vmem_shared>> -> memref<6272xf32, #tpu.memory_space<vmem_shared>>
    tpu.enqueue_dma source(%dma_start3A_708 : memref<6272xf32, #tpu.memory_space<vmem_shared>>) target(%dma_start3A_707 : memref<6272xf32, #tpu.memory_space<hbm>>) target_semaphore(%arg8 : memref<!tpu.dma_semaphore, #tpu.memory_space<semaphore_mem>>)
    %mul3A_709 = arith.constant 6272 : i32
    %mul3A_710 = arith.muli %arg1, %mul3A_709 : i32
    %add3A_711 = arith.constant 1204224 : i32
    %add3A_712 = arith.addi %add3A_711, %mul3A_710 : i32
    %mul3A_713 = arith.constant 13 : i32
    %mul3A_714 = arith.muli %arg0, %mul3A_713 : i32
    %add3A_715 = arith.constant 12 : i32
    %add3A_716 = arith.addi %mul3A_714, %add3A_715 : i32
    %mul3A_717 = arith.constant 100352 : i32
    %mul3A_718 = arith.muli %add3A_716, %mul3A_717 : i32
    %mul3A_719 = arith.constant 6272 : i32
    %mul3A_720 = arith.muli %arg1, %mul3A_719 : i32
    %add3A_721 = arith.addi %mul3A_718, %mul3A_720 : i32
    %dma_start3A_722 = tpu.memref_slice %arg3[%add3A_721] : memref<2609152xf32, #tpu.memory_space<hbm>> -> memref<6272xf32, #tpu.memory_space<hbm>>
    %dma_start3A_723 = tpu.memref_slice %arg7[%add3A_712] : memref<1304576xf32, #tpu.memory_space<vmem_shared>> -> memref<6272xf32, #tpu.memory_space<vmem_shared>>
    tpu.enqueue_dma source(%dma_start3A_723 : memref<6272xf32, #tpu.memory_space<vmem_shared>>) target(%dma_start3A_722 : memref<6272xf32, #tpu.memory_space<hbm>>) target_semaphore(%arg8 : memref<!tpu.dma_semaphore, #tpu.memory_space<semaphore_mem>>)
    %dma_wait3A_724 = tpu.memref_slice %arg3[%add3A_541] : memref<2609152xf32, #tpu.memory_space<hbm>> -> memref<6272xf32, #tpu.memory_space<hbm>>
    %dma_wait3A_725 = tpu.memref_slice %arg7[%add3A_532] : memref<1304576xf32, #tpu.memory_space<vmem_shared>> -> memref<6272xf32, #tpu.memory_space<vmem_shared>>
    tpu.wait_dma2 semaphore(%arg8 : memref<!tpu.dma_semaphore, #tpu.memory_space<semaphore_mem>>) src(%dma_wait3A_725 : memref<6272xf32, #tpu.memory_space<vmem_shared>>) dst(%dma_wait3A_724 : memref<6272xf32, #tpu.memory_space<hbm>>)
    %dma_wait3A_726 = tpu.memref_slice %arg3[%add3A_556] : memref<2609152xf32, #tpu.memory_space<hbm>> -> memref<6272xf32, #tpu.memory_space<hbm>>
    %dma_wait3A_727 = tpu.memref_slice %arg7[%add3A_547] : memref<1304576xf32, #tpu.memory_space<vmem_shared>> -> memref<6272xf32, #tpu.memory_space<vmem_shared>>
    tpu.wait_dma2 semaphore(%arg8 : memref<!tpu.dma_semaphore, #tpu.memory_space<semaphore_mem>>) src(%dma_wait3A_727 : memref<6272xf32, #tpu.memory_space<vmem_shared>>) dst(%dma_wait3A_726 : memref<6272xf32, #tpu.memory_space<hbm>>)
    %dma_wait3A_728 = tpu.memref_slice %arg3[%add3A_571] : memref<2609152xf32, #tpu.memory_space<hbm>> -> memref<6272xf32, #tpu.memory_space<hbm>>
    %dma_wait3A_729 = tpu.memref_slice %arg7[%add3A_562] : memref<1304576xf32, #tpu.memory_space<vmem_shared>> -> memref<6272xf32, #tpu.memory_space<vmem_shared>>
    tpu.wait_dma2 semaphore(%arg8 : memref<!tpu.dma_semaphore, #tpu.memory_space<semaphore_mem>>) src(%dma_wait3A_729 : memref<6272xf32, #tpu.memory_space<vmem_shared>>) dst(%dma_wait3A_728 : memref<6272xf32, #tpu.memory_space<hbm>>)
    %dma_wait3A_730 = tpu.memref_slice %arg3[%add3A_586] : memref<2609152xf32, #tpu.memory_space<hbm>> -> memref<6272xf32, #tpu.memory_space<hbm>>
    %dma_wait3A_731 = tpu.memref_slice %arg7[%add3A_577] : memref<1304576xf32, #tpu.memory_space<vmem_shared>> -> memref<6272xf32, #tpu.memory_space<vmem_shared>>
    tpu.wait_dma2 semaphore(%arg8 : memref<!tpu.dma_semaphore, #tpu.memory_space<semaphore_mem>>) src(%dma_wait3A_731 : memref<6272xf32, #tpu.memory_space<vmem_shared>>) dst(%dma_wait3A_730 : memref<6272xf32, #tpu.memory_space<hbm>>)
    %dma_wait3A_732 = tpu.memref_slice %arg3[%add3A_601] : memref<2609152xf32, #tpu.memory_space<hbm>> -> memref<6272xf32, #tpu.memory_space<hbm>>
    %dma_wait3A_733 = tpu.memref_slice %arg7[%add3A_592] : memref<1304576xf32, #tpu.memory_space<vmem_shared>> -> memref<6272xf32, #tpu.memory_space<vmem_shared>>
    tpu.wait_dma2 semaphore(%arg8 : memref<!tpu.dma_semaphore, #tpu.memory_space<semaphore_mem>>) src(%dma_wait3A_733 : memref<6272xf32, #tpu.memory_space<vmem_shared>>) dst(%dma_wait3A_732 : memref<6272xf32, #tpu.memory_space<hbm>>)
    %dma_wait3A_734 = tpu.memref_slice %arg3[%add3A_616] : memref<2609152xf32, #tpu.memory_space<hbm>> -> memref<6272xf32, #tpu.memory_space<hbm>>
    %dma_wait3A_735 = tpu.memref_slice %arg7[%add3A_607] : memref<1304576xf32, #tpu.memory_space<vmem_shared>> -> memref<6272xf32, #tpu.memory_space<vmem_shared>>
    tpu.wait_dma2 semaphore(%arg8 : memref<!tpu.dma_semaphore, #tpu.memory_space<semaphore_mem>>) src(%dma_wait3A_735 : memref<6272xf32, #tpu.memory_space<vmem_shared>>) dst(%dma_wait3A_734 : memref<6272xf32, #tpu.memory_space<hbm>>)
    %dma_wait3A_736 = tpu.memref_slice %arg3[%add3A_631] : memref<2609152xf32, #tpu.memory_space<hbm>> -> memref<6272xf32, #tpu.memory_space<hbm>>
    %dma_wait3A_737 = tpu.memref_slice %arg7[%add3A_622] : memref<1304576xf32, #tpu.memory_space<vmem_shared>> -> memref<6272xf32, #tpu.memory_space<vmem_shared>>
    tpu.wait_dma2 semaphore(%arg8 : memref<!tpu.dma_semaphore, #tpu.memory_space<semaphore_mem>>) src(%dma_wait3A_737 : memref<6272xf32, #tpu.memory_space<vmem_shared>>) dst(%dma_wait3A_736 : memref<6272xf32, #tpu.memory_space<hbm>>)
    %dma_wait3A_738 = tpu.memref_slice %arg3[%add3A_646] : memref<2609152xf32, #tpu.memory_space<hbm>> -> memref<6272xf32, #tpu.memory_space<hbm>>
    %dma_wait3A_739 = tpu.memref_slice %arg7[%add3A_637] : memref<1304576xf32, #tpu.memory_space<vmem_shared>> -> memref<6272xf32, #tpu.memory_space<vmem_shared>>
    tpu.wait_dma2 semaphore(%arg8 : memref<!tpu.dma_semaphore, #tpu.memory_space<semaphore_mem>>) src(%dma_wait3A_739 : memref<6272xf32, #tpu.memory_space<vmem_shared>>) dst(%dma_wait3A_738 : memref<6272xf32, #tpu.memory_space<hbm>>)
    %dma_wait3A_740 = tpu.memref_slice %arg3[%add3A_661] : memref<2609152xf32, #tpu.memory_space<hbm>> -> memref<6272xf32, #tpu.memory_space<hbm>>
    %dma_wait3A_741 = tpu.memref_slice %arg7[%add3A_652] : memref<1304576xf32, #tpu.memory_space<vmem_shared>> -> memref<6272xf32, #tpu.memory_space<vmem_shared>>
    tpu.wait_dma2 semaphore(%arg8 : memref<!tpu.dma_semaphore, #tpu.memory_space<semaphore_mem>>) src(%dma_wait3A_741 : memref<6272xf32, #tpu.memory_space<vmem_shared>>) dst(%dma_wait3A_740 : memref<6272xf32, #tpu.memory_space<hbm>>)
    %dma_wait3A_742 = tpu.memref_slice %arg3[%add3A_676] : memref<2609152xf32, #tpu.memory_space<hbm>> -> memref<6272xf32, #tpu.memory_space<hbm>>
    %dma_wait3A_743 = tpu.memref_slice %arg7[%add3A_667] : memref<1304576xf32, #tpu.memory_space<vmem_shared>> -> memref<6272xf32, #tpu.memory_space<vmem_shared>>
    tpu.wait_dma2 semaphore(%arg8 : memref<!tpu.dma_semaphore, #tpu.memory_space<semaphore_mem>>) src(%dma_wait3A_743 : memref<6272xf32, #tpu.memory_space<vmem_shared>>) dst(%dma_wait3A_742 : memref<6272xf32, #tpu.memory_space<hbm>>)
    %dma_wait3A_744 = tpu.memref_slice %arg3[%add3A_691] : memref<2609152xf32, #tpu.memory_space<hbm>> -> memref<6272xf32, #tpu.memory_space<hbm>>
    %dma_wait3A_745 = tpu.memref_slice %arg7[%add3A_682] : memref<1304576xf32, #tpu.memory_space<vmem_shared>> -> memref<6272xf32, #tpu.memory_space<vmem_shared>>
    tpu.wait_dma2 semaphore(%arg8 : memref<!tpu.dma_semaphore, #tpu.memory_space<semaphore_mem>>) src(%dma_wait3A_745 : memref<6272xf32, #tpu.memory_space<vmem_shared>>) dst(%dma_wait3A_744 : memref<6272xf32, #tpu.memory_space<hbm>>)
    %dma_wait3A_746 = tpu.memref_slice %arg3[%add3A_706] : memref<2609152xf32, #tpu.memory_space<hbm>> -> memref<6272xf32, #tpu.memory_space<hbm>>
    %dma_wait3A_747 = tpu.memref_slice %arg7[%add3A_697] : memref<1304576xf32, #tpu.memory_space<vmem_shared>> -> memref<6272xf32, #tpu.memory_space<vmem_shared>>
    tpu.wait_dma2 semaphore(%arg8 : memref<!tpu.dma_semaphore, #tpu.memory_space<semaphore_mem>>) src(%dma_wait3A_747 : memref<6272xf32, #tpu.memory_space<vmem_shared>>) dst(%dma_wait3A_746 : memref<6272xf32, #tpu.memory_space<hbm>>)
    %dma_wait3A_748 = tpu.memref_slice %arg3[%add3A_721] : memref<2609152xf32, #tpu.memory_space<hbm>> -> memref<6272xf32, #tpu.memory_space<hbm>>
    %dma_wait3A_749 = tpu.memref_slice %arg7[%add3A_712] : memref<1304576xf32, #tpu.memory_space<vmem_shared>> -> memref<6272xf32, #tpu.memory_space<vmem_shared>>
    tpu.wait_dma2 semaphore(%arg8 : memref<!tpu.dma_semaphore, #tpu.memory_space<semaphore_mem>>) src(%dma_wait3A_749 : memref<6272xf32, #tpu.memory_space<vmem_shared>>) dst(%dma_wait3A_748 : memref<6272xf32, #tpu.memory_space<hbm>>)
    return
  }
}

module attributes {stable_mosaic.version = 14 : i64} {
  func.func @_sweep_body(%arg0: i32, %arg1: memref<1x32x100352xf32, #tpu.memory_space<vmem>>, %arg2: memref<1x1x100352xf32, #tpu.memory_space<vmem>>, %arg3: memref<26x32xf32, #tpu.memory_space<vmem>>) attributes {dimension_semantics = [#tpu.dimension_semantics<arbitrary>], iteration_bounds = array<i64: 26>, scalar_prefetch = 0 : i64, scratch_operands = 0 : i64, tpu.core_type = #tpu.core_type<tc>, window_params = [{transform_indices = @transform_0, window_bounds = array<i64: 1, 32, 100352>}, {transform_indices = @transform_1, window_bounds = array<i64: 1, 1, 100352>}, {pipeline_mode = #tpu.pipeline_mode<synchronous>, transform_indices = @transform_2, window_bounds = array<i64: 26, 32>}]} {
    %iota3A = tpu.iota {dimensions = array<i32: 1>} : vector<32x100352xi32>
    %lt3A = arith.constant 100000 : i32
    %lt3A_0 = vector.broadcast %lt3A : i32 to vector<32x100352xi32>
    %lt3A_1 = arith.cmpi slt, %iota3A, %lt3A_0 : vector<32x100352xi32>
    %get3A = arith.constant 0 : index
    %get3A_2 = arith.constant 0 : index
    %get3A_3 = arith.constant 0 : index
    %get3A_4 = vector.load %arg1[%get3A, %get3A_2, %get3A_3] : memref<1x32x100352xf32, #tpu.memory_space<vmem>>, vector<1x32x100352xf32>
    %get3A_5 = vector.shape_cast %get3A_4 : vector<1x32x100352xf32> to vector<32x100352xf32>
    %jit3A = arith.constant 0.000000e+00 : f32
    %broadcast_in_dim3A = vector.broadcast %jit3A : f32 to vector<32x100352xf32>
    %select_n3A = arith.select %lt3A_1, %get3A_5, %broadcast_in_dim3A : vector<32x100352xi1>, vector<32x100352xf32>
    %get3A_6 = arith.constant 0 : index
    %get3A_7 = arith.constant 0 : index
    %get3A_8 = arith.constant 0 : index
    %get3A_9 = vector.load %arg2[%get3A_6, %get3A_7, %get3A_8] : memref<1x1x100352xf32, #tpu.memory_space<vmem>>, vector<1x1x100352xf32>
    %get3A_10 = vector.shape_cast %get3A_9 : vector<1x1x100352xf32> to vector<1x100352xf32>
    %dot_general3A = arith.constant dense<0.000000e+00> : vector<1x32xf32>
    %dot_general3A_11 = tpu.matmul %get3A_10, %select_n3A, %dot_general3A {dimension_numbers = #tpu.dot_dimension_numbers<[1], [1], [0], [0], [0, 0, 1, 0], [], []>, transpose_lhs_hint = false} : vector<1x100352xf32>, vector<32x100352xf32>, vector<1x32xf32> -> vector<1x32xf32>
    %swap3A = arith.index_cast %arg0 : i32 to index
    %swap3A_12 = arith.constant 0 : index
    %swap3A_13 = vector.load %arg3[%swap3A, %swap3A_12] : memref<26x32xf32, #tpu.memory_space<vmem>>, vector<1x32xf32>
    tpu.vector_store %arg3[%swap3A, %swap3A_12], %dot_general3A_11 {strides = array<i32>} : memref<26x32xf32, #tpu.memory_space<vmem>>, vector<1x32xf32>,
    return
  }
  func.func @transform_0(%arg0: i32) -> (i32, i32, i32) {
    %c0_i32 = arith.constant 0 : i32
    %c0_i32_0 = arith.constant 0 : i32
    %c0_i32_1 = arith.constant 0 : i32
    return %arg0, %c0_i32, %c0_i32_0 : i32, i32, i32
  }
  func.func @transform_1(%arg0: i32) -> (i32, i32, i32) {
    %c0_i32 = arith.constant 0 : i32
    %c0_i32_0 = arith.constant 0 : i32
    %c0_i32_1 = arith.constant 0 : i32
    return %arg0, %c0_i32, %c0_i32_0 : i32, i32, i32
  }
  func.func @transform_2(%arg0: i32) -> (i32, i32) {
    %c0_i32 = arith.constant 0 : i32
    %c0_i32_0 = arith.constant 0 : i32
    %c0_i32_1 = arith.constant 0 : i32
    return %c0_i32, %c0_i32_0 : i32, i32
  }
}

module attributes {stable_mosaic.version = 14 : i64} {
  func.func @_bot_body(%arg0: i32, %arg1: memref<512x13xf32, #tpu.memory_space<vmem>>, %arg2: memref<512x13xf32, #tpu.memory_space<vmem>>, %arg3: memref<1x512xf32, #tpu.memory_space<vmem>>, %arg4: memref<256x512xf32, #tpu.memory_space<vmem>>, %arg5: memref<1x256xf32, #tpu.memory_space<vmem>>, %arg6: memref<64x256xf32, #tpu.memory_space<vmem>>, %arg7: memref<1x64xf32, #tpu.memory_space<vmem>>, %arg8: memref<32x64xf32, #tpu.memory_space<vmem>>, %arg9: memref<1x32xf32, #tpu.memory_space<vmem>>, %arg10: memref<512x32xf32, #tpu.memory_space<vmem>>) attributes {dimension_semantics = [#tpu.dimension_semantics<arbitrary>], iteration_bounds = array<i64: 8>, scalar_prefetch = 0 : i64, scratch_operands = 0 : i64, tpu.core_type = #tpu.core_type<tc>, window_params = [{transform_indices = @transform_0, window_bounds = array<i64: 512, 13>}, {pipeline_mode = #tpu.pipeline_mode<synchronous>, transform_indices = @transform_1, window_bounds = array<i64: 512, 13>}, {pipeline_mode = #tpu.pipeline_mode<synchronous>, transform_indices = @transform_2, window_bounds = array<i64: 1, 512>}, {pipeline_mode = #tpu.pipeline_mode<synchronous>, transform_indices = @transform_3, window_bounds = array<i64: 256, 512>}, {pipeline_mode = #tpu.pipeline_mode<synchronous>, transform_indices = @transform_4, window_bounds = array<i64: 1, 256>}, {pipeline_mode = #tpu.pipeline_mode<synchronous>, transform_indices = @transform_5, window_bounds = array<i64: 64, 256>}, {pipeline_mode = #tpu.pipeline_mode<synchronous>, transform_indices = @transform_6, window_bounds = array<i64: 1, 64>}, {pipeline_mode = #tpu.pipeline_mode<synchronous>, transform_indices = @transform_7, window_bounds = array<i64: 32, 64>}, {pipeline_mode = #tpu.pipeline_mode<synchronous>, transform_indices = @transform_8, window_bounds = array<i64: 1, 32>}, {transform_indices = @transform_9, window_bounds = array<i64: 512, 32>}]} {
    %get3A = arith.constant 0 : index
    %get3A_0 = arith.constant 0 : index
    %get3A_1 = vector.load %arg1[%get3A, %get3A_0] : memref<512x13xf32, #tpu.memory_space<vmem>>, vector<512x13xf32>
    %get3A_2 = arith.constant 0 : index
    %get3A_3 = arith.constant 0 : index
    %get3A_4 = vector.load %arg2[%get3A_2, %get3A_3] : memref<512x13xf32, #tpu.memory_space<vmem>>, vector<512x13xf32>
    %dot_general3A = arith.constant dense<0.000000e+00> : vector<512x512xf32>
    %dot_general3A_5 = tpu.matmul %get3A_1, %get3A_4, %dot_general3A {dimension_numbers = #tpu.dot_dimension_numbers<[1], [1], [0], [0], [0, 0, 1, 0], [], []>, transpose_lhs_hint = false} : vector<512x13xf32>, vector<512x13xf32>, vector<512x512xf32> -> vector<512x512xf32>
    %get3A_6 = arith.constant 0 : index
    %get3A_7 = arith.constant 0 : index
    %get3A_8 = vector.load %arg3[%get3A_6, %get3A_7] : memref<1x512xf32, #tpu.memory_space<vmem>>, vector<1x512xf32>
    %add3A = vector.broadcast %get3A_8 : vector<1x512xf32> to vector<512x512xf32>
    %add3A_9 = arith.addf %dot_general3A_5, %add3A : vector<512x512xf32>
    %max3A = arith.constant 0.000000e+00 : f32
    %max3A_10 = vector.broadcast %max3A : f32 to vector<512x512xf32>
    %max3A_11 = arith.maximumf %add3A_9, %max3A_10 : vector<512x512xf32>
    %get3A_12 = arith.constant 0 : index
    %get3A_13 = arith.constant 0 : index
    %get3A_14 = vector.load %arg4[%get3A_12, %get3A_13] : memref<256x512xf32, #tpu.memory_space<vmem>>, vector<256x512xf32>
    %dot_general3A_15 = arith.constant dense<0.000000e+00> : vector<512x256xf32>
    %dot_general3A_16 = tpu.matmul %max3A_11, %get3A_14, %dot_general3A_15 {dimension_numbers = #tpu.dot_dimension_numbers<[1], [1], [0], [0], [0, 0, 1, 0], [], []>, transpose_lhs_hint = false} : vector<512x512xf32>, vector<256x512xf32>, vector<512x256xf32> -> vector<512x256xf32>
    %get3A_17 = arith.constant 0 : index
    %get3A_18 = arith.constant 0 : index
    %get3A_19 = vector.load %arg5[%get3A_17, %get3A_18] : memref<1x256xf32, #tpu.memory_space<vmem>>, vector<1x256xf32>
    %add3A_20 = vector.broadcast %get3A_19 : vector<1x256xf32> to vector<512x256xf32>
    %add3A_21 = arith.addf %dot_general3A_16, %add3A_20 : vector<512x256xf32>
    %max3A_22 = arith.constant 0.000000e+00 : f32
    %max3A_23 = vector.broadcast %max3A_22 : f32 to vector<512x256xf32>
    %max3A_24 = arith.maximumf %add3A_21, %max3A_23 : vector<512x256xf32>
    %get3A_25 = arith.constant 0 : index
    %get3A_26 = arith.constant 0 : index
    %get3A_27 = vector.load %arg6[%get3A_25, %get3A_26] : memref<64x256xf32, #tpu.memory_space<vmem>>, vector<64x256xf32>
    %dot_general3A_28 = arith.constant dense<0.000000e+00> : vector<512x64xf32>
    %dot_general3A_29 = tpu.matmul %max3A_24, %get3A_27, %dot_general3A_28 {dimension_numbers = #tpu.dot_dimension_numbers<[1], [1], [0], [0], [0, 0, 1, 0], [], []>, transpose_lhs_hint = false} : vector<512x256xf32>, vector<64x256xf32>, vector<512x64xf32> -> vector<512x64xf32>
    %get3A_30 = arith.constant 0 : index
    %get3A_31 = arith.constant 0 : index
    %get3A_32 = vector.load %arg7[%get3A_30, %get3A_31] : memref<1x64xf32, #tpu.memory_space<vmem>>, vector<1x64xf32>
    %add3A_33 = vector.broadcast %get3A_32 : vector<1x64xf32> to vector<512x64xf32>
    %add3A_34 = arith.addf %dot_general3A_29, %add3A_33 : vector<512x64xf32>
    %max3A_35 = arith.constant 0.000000e+00 : f32
    %max3A_36 = vector.broadcast %max3A_35 : f32 to vector<512x64xf32>
    %max3A_37 = arith.maximumf %add3A_34, %max3A_36 : vector<512x64xf32>
    %get3A_38 = arith.constant 0 : index
    %get3A_39 = arith.constant 0 : index
    %get3A_40 = vector.load %arg8[%get3A_38, %get3A_39] : memref<32x64xf32, #tpu.memory_space<vmem>>, vector<32x64xf32>
    %dot_general3A_41 = arith.constant dense<0.000000e+00> : vector<512x32xf32>
    %dot_general3A_42 = tpu.matmul %max3A_37, %get3A_40, %dot_general3A_41 {dimension_numbers = #tpu.dot_dimension_numbers<[1], [1], [0], [0], [0, 0, 1, 0], [], []>, transpose_lhs_hint = false} : vector<512x64xf32>, vector<32x64xf32>, vector<512x32xf32> -> vector<512x32xf32>
    %get3A_43 = arith.constant 0 : index
    %get3A_44 = arith.constant 0 : index
    %get3A_45 = vector.load %arg9[%get3A_43, %get3A_44] : memref<1x32xf32, #tpu.memory_space<vmem>>, vector<1x32xf32>
    %add3A_46 = vector.broadcast %get3A_45 : vector<1x32xf32> to vector<512x32xf32>
    %add3A_47 = arith.addf %dot_general3A_42, %add3A_46 : vector<512x32xf32>
    %max3A_48 = arith.constant 0.000000e+00 : f32
    %max3A_49 = vector.broadcast %max3A_48 : f32 to vector<512x32xf32>
    %max3A_50 = arith.maximumf %add3A_47, %max3A_49 : vector<512x32xf32>
    %swap3A = arith.constant 0 : index
    %swap3A_51 = arith.constant 0 : index
    %swap3A_52 = vector.load %arg10[%swap3A, %swap3A_51] : memref<512x32xf32, #tpu.memory_space<vmem>>, vector<512x32xf32>
    tpu.vector_store %arg10[%swap3A, %swap3A_51], %max3A_50 {strides = array<i32>} : memref<512x32xf32, #tpu.memory_space<vmem>>, vector<512x32xf32>,
    return
  }
  func.func @transform_0(%arg0: i32) -> (i32, i32) {
    %c0_i32 = arith.constant 0 : i32
    %c0_i32_0 = arith.constant 0 : i32
    return %arg0, %c0_i32 : i32, i32
  }
  func.func @transform_1(%arg0: i32) -> (i32, i32) {
    %c0_i32 = arith.constant 0 : i32
    %c0_i32_0 = arith.constant 0 : i32
    %c0_i32_1 = arith.constant 0 : i32
    return %c0_i32, %c0_i32_0 : i32, i32
  }
  func.func @transform_2(%arg0: i32) -> (i32, i32) {
    %c0_i32 = arith.constant 0 : i32
    %c0_i32_0 = arith.constant 0 : i32
    %c0_i32_1 = arith.constant 0 : i32
    return %c0_i32, %c0_i32_0 : i32, i32
  }
  func.func @transform_3(%arg0: i32) -> (i32, i32) {
    %c0_i32 = arith.constant 0 : i32
    %c0_i32_0 = arith.constant 0 : i32
    %c0_i32_1 = arith.constant 0 : i32
    return %c0_i32, %c0_i32_0 : i32, i32
  }
  func.func @transform_4(%arg0: i32) -> (i32, i32) {
    %c0_i32 = arith.constant 0 : i32
    %c0_i32_0 = arith.constant 0 : i32
    %c0_i32_1 = arith.constant 0 : i32
    return %c0_i32, %c0_i32_0 : i32, i32
  }
  func.func @transform_5(%arg0: i32) -> (i32, i32) {
    %c0_i32 = arith.constant 0 : i32
    %c0_i32_0 = arith.constant 0 : i32
    %c0_i32_1 = arith.constant 0 : i32
    return %c0_i32, %c0_i32_0 : i32, i32
  }
  func.func @transform_6(%arg0: i32) -> (i32, i32) {
    %c0_i32 = arith.constant 0 : i32
    %c0_i32_0 = arith.constant 0 : i32
    %c0_i32_1 = arith.constant 0 : i32
    return %c0_i32, %c0_i32_0 : i32, i32
  }
  func.func @transform_7(%arg0: i32) -> (i32, i32) {
    %c0_i32 = arith.constant 0 : i32
    %c0_i32_0 = arith.constant 0 : i32
    %c0_i32_1 = arith.constant 0 : i32
    return %c0_i32, %c0_i32_0 : i32, i32
  }
  func.func @transform_8(%arg0: i32) -> (i32, i32) {
    %c0_i32 = arith.constant 0 : i32
    %c0_i32_0 = arith.constant 0 : i32
    %c0_i32_1 = arith.constant 0 : i32
    return %c0_i32, %c0_i32_0 : i32, i32
  }
  func.func @transform_9(%arg0: i32) -> (i32, i32) {
    %c0_i32 = arith.constant 0 : i32
    %c0_i32_0 = arith.constant 0 : i32
    return %arg0, %c0_i32 : i32, i32
  }
}

module attributes {stable_mosaic.version = 14 : i64} {
  func.func @_top_body(%arg0: i32, %arg1: memref<512x32xf32, #tpu.memory_space<vmem>>, %arg2: memref<26x32xf32, #tpu.memory_space<vmem>>, %arg3: memref<383x1xf32, #tpu.memory_space<vmem>>, %arg4: memref<383x26xf32, #tpu.memory_space<vmem>>, %arg5: memref<383x1xf32, #tpu.memory_space<vmem>>, %arg6: memref<383x26xf32, #tpu.memory_space<vmem>>, %arg7: memref<512x383xf32, #tpu.memory_space<vmem>>, %arg8: memref<1x512xf32, #tpu.memory_space<vmem>>, %arg9: memref<256x512xf32, #tpu.memory_space<vmem>>, %arg10: memref<1x256xf32, #tpu.memory_space<vmem>>, %arg11: memref<1x256xf32, #tpu.memory_space<vmem>>, %arg12: memref<1x1xf32, #tpu.memory_space<vmem>>, %arg13: memref<1x512xf32, #tpu.memory_space<vmem>>) attributes {dimension_semantics = [#tpu.dimension_semantics<arbitrary>], iteration_bounds = array<i64: 8>, scalar_prefetch = 0 : i64, scratch_operands = 0 : i64, tpu.core_type = #tpu.core_type<tc>, window_params = [{transform_indices = @transform_0, window_bounds = array<i64: 512, 32>}, {pipeline_mode = #tpu.pipeline_mode<synchronous>, transform_indices = @transform_1, window_bounds = array<i64: 26, 32>}, {pipeline_mode = #tpu.pipeline_mode<synchronous>, transform_indices = @transform_2, window_bounds = array<i64: 383, 1>}, {pipeline_mode = #tpu.pipeline_mode<synchronous>, transform_indices = @transform_3, window_bounds = array<i64: 383, 26>}, {pipeline_mode = #tpu.pipeline_mode<synchronous>, transform_indices = @transform_4, window_bounds = array<i64: 383, 1>}, {pipeline_mode = #tpu.pipeline_mode<synchronous>, transform_indices = @transform_5, window_bounds = array<i64: 383, 26>}, {pipeline_mode = #tpu.pipeline_mode<synchronous>, transform_indices = @transform_6, window_bounds = array<i64: 512, 383>}, {pipeline_mode = #tpu.pipeline_mode<synchronous>, transform_indices = @transform_7, window_bounds = array<i64: 1, 512>}, {pipeline_mode = #tpu.pipeline_mode<synchronous>, transform_indices = @transform_8, window_bounds = array<i64: 256, 512>}, {pipeline_mode = #tpu.pipeline_mode<synchronous>, transform_indices = @transform_9, window_bounds = array<i64: 1, 256>}, {pipeline_mode = #tpu.pipeline_mode<synchronous>, transform_indices = @transform_10, window_bounds = array<i64: 1, 256>}, {pipeline_mode = #tpu.pipeline_mode<synchronous>, transform_indices = @transform_11, window_bounds = array<i64: 1, 1>}, {transform_indices = @transform_12, window_bounds = array<i64: 1, 512>}]} {
    %get3A = arith.constant 0 : index
    %get3A_0 = arith.constant 0 : index
    %get3A_1 = vector.load %arg1[%get3A, %get3A_0] : memref<512x32xf32, #tpu.memory_space<vmem>>, vector<512x32xf32>
    %get3A_2 = arith.constant 0 : index
    %get3A_3 = arith.constant 0 : index
    %get3A_4 = vector.load %arg2[%get3A_2, %get3A_3] : memref<26x32xf32, #tpu.memory_space<vmem>>, vector<26x32xf32>
    %get3A_5 = arith.constant 0 : index
    %get3A_6 = arith.constant 0 : index
    %get3A_7 = vector.load %arg7[%get3A_5, %get3A_6] : memref<512x383xf32, #tpu.memory_space<vmem>>, vector<512x383xf32>
    %slice3A = vector.extract_strided_slice %get3A_1 {offsets = [511, 0], sizes = [1, 32], strides = [1, 1]} : vector<512x32xf32> to vector<1x32xf32>
    %get3A_8 = arith.constant 0 : index
    %get3A_9 = arith.constant 0 : index
    %get3A_10 = vector.load %arg3[%get3A_8, %get3A_9] : memref<383x1xf32, #tpu.memory_space<vmem>>, vector<383x1xf32>
    %dot_general3A = arith.constant dense<0.000000e+00> : vector<383x32xf32>
    %dot_general3A_11 = tpu.matmul %get3A_10, %slice3A, %dot_general3A {dimension_numbers = #tpu.dot_dimension_numbers<[1], [0], [0], [1], [0, 0, 1, 1], [], []>, transpose_lhs_hint = false} : vector<383x1xf32>, vector<1x32xf32>, vector<383x32xf32> -> vector<383x32xf32>
    %get3A_12 = arith.constant 0 : index
    %get3A_13 = arith.constant 0 : index
    %get3A_14 = vector.load %arg4[%get3A_12, %get3A_13] : memref<383x26xf32, #tpu.memory_space<vmem>>, vector<383x26xf32>
    %dot_general3A_15 = arith.constant dense<0.000000e+00> : vector<383x32xf32>
    %dot_general3A_16 = tpu.matmul %get3A_14, %get3A_4, %dot_general3A_15 {dimension_numbers = #tpu.dot_dimension_numbers<[1], [0], [0], [1], [0, 0, 1, 1], [], []>, transpose_lhs_hint = false} : vector<383x26xf32>, vector<26x32xf32>, vector<383x32xf32> -> vector<383x32xf32>
    %add3A = arith.addf %dot_general3A_11, %dot_general3A_16 : vector<383x32xf32>
    %get3A_17 = arith.constant 0 : index
    %get3A_18 = arith.constant 0 : index
    %get3A_19 = vector.load %arg5[%get3A_17, %get3A_18] : memref<383x1xf32, #tpu.memory_space<vmem>>, vector<383x1xf32>
    %dot_general3A_20 = arith.constant dense<0.000000e+00> : vector<383x32xf32>
    %dot_general3A_21 = tpu.matmul %get3A_19, %slice3A, %dot_general3A_20 {dimension_numbers = #tpu.dot_dimension_numbers<[1], [0], [0], [1], [0, 0, 1, 1], [], []>, transpose_lhs_hint = false} : vector<383x1xf32>, vector<1x32xf32>, vector<383x32xf32> -> vector<383x32xf32>
    %get3A_22 = arith.constant 0 : index
    %get3A_23 = arith.constant 0 : index
    %get3A_24 = vector.load %arg6[%get3A_22, %get3A_23] : memref<383x26xf32, #tpu.memory_space<vmem>>, vector<383x26xf32>
    %dot_general3A_25 = arith.constant dense<0.000000e+00> : vector<383x32xf32>
    %dot_general3A_26 = tpu.matmul %get3A_24, %get3A_4, %dot_general3A_25 {dimension_numbers = #tpu.dot_dimension_numbers<[1], [0], [0], [1], [0, 0, 1, 1], [], []>, transpose_lhs_hint = false} : vector<383x26xf32>, vector<26x32xf32>, vector<383x32xf32> -> vector<383x32xf32>
    %add3A_27 = arith.addf %dot_general3A_21, %dot_general3A_26 : vector<383x32xf32>
    %mul3A = arith.mulf %add3A, %add3A_27 : vector<383x32xf32>
    %reduce_sum3A = arith.constant dense<0.000000e+00> : vector<383xf32>
    %reduce_sum3A_28 = vector.multi_reduction <add>, %mul3A, %reduce_sum3A [1] : vector<383x32xf32> to vector<383xf32>
    %broadcast_in_dim3A = vector.shape_cast %reduce_sum3A_28 : vector<383xf32> to vector<383x1xf32>
    %dot_general3A_29 = arith.constant dense<0.000000e+00> : vector<1x512xf32>
    %dot_general3A_30 = tpu.matmul %broadcast_in_dim3A, %get3A_7, %dot_general3A_29 {dimension_numbers = #tpu.dot_dimension_numbers<[0], [1], [1], [0], [0, 1, 1, 0], [], []>, transpose_lhs_hint = false} : vector<383x1xf32>, vector<512x383xf32>, vector<1x512xf32> -> vector<1x512xf32>
    %iota3A = tpu.iota {dimensions = array<i32: 0>} : vector<512x1xi32>
    %eq3A = arith.constant 7 : i32
    %eq3A_31 = arith.cmpi eq, %arg0, %eq3A : i32
    %eq3A_32 = arith.constant 511 : i32
    %eq3A_33 = vector.broadcast %eq3A_32 : i32 to vector<512x1xi32>
    %eq3A_34 = arith.cmpi eq, %iota3A, %eq3A_33 : vector<512x1xi32>
    %and3A = vector.broadcast %eq3A_31 : i1 to vector<512x1xi1>
    %and3A_35 = arith.andi %eq3A_34, %and3A : vector<512x1xi1>
    %jit3A = arith.constant 1.000000e+00 : f32
    %jit3A_36 = arith.constant 0.000000e+00 : f32
    %broadcast_in_dim3A_37 = vector.broadcast %jit3A : f32 to vector<512x1xf32>
    %broadcast_in_dim3A_38 = vector.broadcast %jit3A_36 : f32 to vector<512x1xf32>
    %select_n3A = arith.select %and3A_35, %broadcast_in_dim3A_37, %broadcast_in_dim3A_38 : vector<512x1xi1>, vector<512x1xf32>
    %slice3A_39 = vector.extract_strided_slice %get3A_7 {offsets = [0, 0], sizes = [512, 32], strides = [1, 1]} : vector<512x383xf32> to vector<512x32xf32>
    %dot_general3A_40 = arith.constant dense<0.000000e+00> : vector<512x512xf32>
    %dot_general3A_41 = tpu.matmul %get3A_1, %slice3A_39, %dot_general3A_40 {dimension_numbers = #tpu.dot_dimension_numbers<[1], [1], [0], [0], [0, 0, 1, 0], [], []>, transpose_lhs_hint = false} : vector<512x32xf32>, vector<512x32xf32>, vector<512x512xf32> -> vector<512x512xf32>
    %get3A_42 = arith.constant 0 : index
    %get3A_43 = arith.constant 0 : index
    %get3A_44 = vector.load %arg8[%get3A_42, %get3A_43] : memref<1x512xf32, #tpu.memory_space<vmem>>, vector<1x512xf32>
    %add3A_45 = vector.broadcast %get3A_44 : vector<1x512xf32> to vector<512x512xf32>
    %add3A_46 = arith.addf %dot_general3A_41, %add3A_45 : vector<512x512xf32>
    %mul3A_47 = vector.broadcast %select_n3A : vector<512x1xf32> to vector<512x512xf32>
    %mul3A_48 = vector.broadcast %dot_general3A_30 : vector<1x512xf32> to vector<512x512xf32>
    %mul3A_49 = arith.mulf %mul3A_47, %mul3A_48 : vector<512x512xf32>
    %add3A_50 = arith.addf %add3A_46, %mul3A_49 : vector<512x512xf32>
    %max3A = arith.constant 0.000000e+00 : f32
    %max3A_51 = vector.broadcast %max3A : f32 to vector<512x512xf32>
    %max3A_52 = arith.maximumf %add3A_50, %max3A_51 : vector<512x512xf32>
    %get3A_53 = arith.constant 0 : index
    %get3A_54 = arith.constant 0 : index
    %get3A_55 = vector.load %arg9[%get3A_53, %get3A_54] : memref<256x512xf32, #tpu.memory_space<vmem>>, vector<256x512xf32>
    %dot_general3A_56 = arith.constant dense<0.000000e+00> : vector<512x256xf32>
    %dot_general3A_57 = tpu.matmul %max3A_52, %get3A_55, %dot_general3A_56 {dimension_numbers = #tpu.dot_dimension_numbers<[1], [1], [0], [0], [0, 0, 1, 0], [], []>, transpose_lhs_hint = false} : vector<512x512xf32>, vector<256x512xf32>, vector<512x256xf32> -> vector<512x256xf32>
    %get3A_58 = arith.constant 0 : index
    %get3A_59 = arith.constant 0 : index
    %get3A_60 = vector.load %arg10[%get3A_58, %get3A_59] : memref<1x256xf32, #tpu.memory_space<vmem>>, vector<1x256xf32>
    %add3A_61 = vector.broadcast %get3A_60 : vector<1x256xf32> to vector<512x256xf32>
    %add3A_62 = arith.addf %dot_general3A_57, %add3A_61 : vector<512x256xf32>
    %max3A_63 = arith.constant 0.000000e+00 : f32
    %max3A_64 = vector.broadcast %max3A_63 : f32 to vector<512x256xf32>
    %max3A_65 = arith.maximumf %add3A_62, %max3A_64 : vector<512x256xf32>
    %get3A_66 = arith.constant 0 : index
    %get3A_67 = arith.constant 0 : index
    %get3A_68 = vector.load %arg11[%get3A_66, %get3A_67] : memref<1x256xf32, #tpu.memory_space<vmem>>, vector<1x256xf32>
    %dot_general3A_69 = arith.constant dense<0.000000e+00> : vector<1x512xf32>
    %dot_general3A_70 = tpu.matmul %get3A_68, %max3A_65, %dot_general3A_69 {dimension_numbers = #tpu.dot_dimension_numbers<[1], [1], [0], [0], [0, 0, 1, 0], [], []>, transpose_lhs_hint = false} : vector<1x256xf32>, vector<512x256xf32>, vector<1x512xf32> -> vector<1x512xf32>
    %get3A_71 = arith.constant 0 : index
    %get3A_72 = arith.constant 0 : index
    %get3A_73 = vector.load %arg12[%get3A_71, %get3A_72] : memref<1x1xf32, #tpu.memory_space<vmem>>, vector<1x1xf32>
    %add3A_74 = vector.broadcast %get3A_73 : vector<1x1xf32> to vector<1x512xf32>
    %add3A_75 = arith.addf %dot_general3A_70, %add3A_74 : vector<1x512xf32>
    %neg3A = arith.constant 0.000000e+00 : f32
    %neg3A_76 = vector.broadcast %neg3A : f32 to vector<1x512xf32>
    %neg3A_77 = arith.subf %neg3A_76, %add3A_75 : vector<1x512xf32>
    %exp3A = math.exp %neg3A_77 : vector<1x512xf32>
    %add3A_78 = arith.constant 1.000000e+00 : f32
    %add3A_79 = vector.broadcast %add3A_78 : f32 to vector<1x512xf32>
    %add3A_80 = arith.addf %add3A_79, %exp3A : vector<1x512xf32>
    %div3A = arith.constant 1.000000e+00 : f32
    %div3A_81 = vector.broadcast %div3A : f32 to vector<1x512xf32>
    %div3A_82 = arith.divf %div3A_81, %add3A_80 : vector<1x512xf32>
    %swap3A = arith.constant 0 : index
    %swap3A_83 = arith.constant 0 : index
    %swap3A_84 = vector.load %arg13[%swap3A, %swap3A_83] : memref<1x512xf32, #tpu.memory_space<vmem>>, vector<1x512xf32>
    tpu.vector_store %arg13[%swap3A, %swap3A_83], %div3A_82 {strides = array<i32>} : memref<1x512xf32, #tpu.memory_space<vmem>>, vector<1x512xf32>,
    return
  }
  func.func @transform_0(%arg0: i32) -> (i32, i32) {
    %c0_i32 = arith.constant 0 : i32
    %c0_i32_0 = arith.constant 0 : i32
    return %arg0, %c0_i32 : i32, i32
  }
  func.func @transform_1(%arg0: i32) -> (i32, i32) {
    %c0_i32 = arith.constant 0 : i32
    %c0_i32_0 = arith.constant 0 : i32
    %c0_i32_1 = arith.constant 0 : i32
    return %c0_i32, %c0_i32_0 : i32, i32
  }
  func.func @transform_2(%arg0: i32) -> (i32, i32) {
    %c0_i32 = arith.constant 0 : i32
    %c0_i32_0 = arith.constant 0 : i32
    %c0_i32_1 = arith.constant 0 : i32
    return %c0_i32, %c0_i32_0 : i32, i32
  }
  func.func @transform_3(%arg0: i32) -> (i32, i32) {
    %c0_i32 = arith.constant 0 : i32
    %c0_i32_0 = arith.constant 0 : i32
    %c0_i32_1 = arith.constant 0 : i32
    return %c0_i32, %c0_i32_0 : i32, i32
  }
  func.func @transform_4(%arg0: i32) -> (i32, i32) {
    %c0_i32 = arith.constant 0 : i32
    %c0_i32_0 = arith.constant 0 : i32
    %c0_i32_1 = arith.constant 0 : i32
    return %c0_i32, %c0_i32_0 : i32, i32
  }
  func.func @transform_5(%arg0: i32) -> (i32, i32) {
    %c0_i32 = arith.constant 0 : i32
    %c0_i32_0 = arith.constant 0 : i32
    %c0_i32_1 = arith.constant 0 : i32
    return %c0_i32, %c0_i32_0 : i32, i32
  }
  func.func @transform_6(%arg0: i32) -> (i32, i32) {
    %c0_i32 = arith.constant 0 : i32
    %c0_i32_0 = arith.constant 0 : i32
    %c0_i32_1 = arith.constant 0 : i32
    return %c0_i32, %c0_i32_0 : i32, i32
  }
  func.func @transform_7(%arg0: i32) -> (i32, i32) {
    %c0_i32 = arith.constant 0 : i32
    %c0_i32_0 = arith.constant 0 : i32
    %c0_i32_1 = arith.constant 0 : i32
    return %c0_i32, %c0_i32_0 : i32, i32
  }
  func.func @transform_8(%arg0: i32) -> (i32, i32) {
    %c0_i32 = arith.constant 0 : i32
    %c0_i32_0 = arith.constant 0 : i32
    %c0_i32_1 = arith.constant 0 : i32
    return %c0_i32, %c0_i32_0 : i32, i32
  }
  func.func @transform_9(%arg0: i32) -> (i32, i32) {
    %c0_i32 = arith.constant 0 : i32
    %c0_i32_0 = arith.constant 0 : i32
    %c0_i32_1 = arith.constant 0 : i32
    return %c0_i32, %c0_i32_0 : i32, i32
  }
  func.func @transform_10(%arg0: i32) -> (i32, i32) {
    %c0_i32 = arith.constant 0 : i32
    %c0_i32_0 = arith.constant 0 : i32
    %c0_i32_1 = arith.constant 0 : i32
    return %c0_i32, %c0_i32_0 : i32, i32
  }
  func.func @transform_11(%arg0: i32) -> (i32, i32) {
    %c0_i32 = arith.constant 0 : i32
    %c0_i32_0 = arith.constant 0 : i32
    %c0_i32_1 = arith.constant 0 : i32
    return %c0_i32, %c0_i32_0 : i32, i32
  }
  func.func @transform_12(%arg0: i32) -> (i32, i32) {
    %c0_i32 = arith.constant 0 : i32
    %c0_i32_0 = arith.constant 0 : i32
    return %c0_i32, %arg0 : i32, i32
  }
}

</mosaic_0001>

<sc_bundles>
// kernel: kernel.6.cloned.1.call-start
scs
__scs_entry_jumppad:
0x0: {  	(pc) =	sbr.rel $0x88, $3  }
0x1: {  	(tag) =	ssettag $0x0;
	lr =	simm.s32 $0x1  }
0x2: {  	[smem:$0x3F90] =	sst lr;
	_ =	strace $0xD0000000  }
0x3: {  	_ = 	snop  }
0x4: {  	_ = 	snop  }
0x5: {  	_ = 	snop  }
0x6: {  	_ = 	snop  }
0x7: {  	_ = 	snop  }
__scs_overlays_trampoline_lowered:
0x8: {  	[smem:$0x3F9F] =	sst s0  }
0x9: {  	[smem:$0x3FA0] =	sst s1  }
0xa: {  	[smem:$0x3FA1] =	sst s2  }
0xb: {  	[smem:$0x3FA2] =	sst s3  }
0xc: {  	[smem:$0x3FA3] =	sst s4  }
0xd: {  	[smem:$0x3FA4] =	sst s5  }
0xe: {  	[smem:$0x3FA5] =	sst s6  }
0xf: {  	[smem:$0x3FA6] =	sst s7  }
0x10: {  	[smem:$0x3FA7] =	sst s8  }
0x11: {  	[smem:$0x3FA8] =	sst s9;
	s0 =	simm.s32 @!p0 $0x0  }
0x12: {  	s1 =	sld [smem:$0x3F8E];
	s0 =	simm.s32 @p0 $0x1  }
0x13: {  	[smem:$0x3FA9] =	sst s0;
	s0 =	simm.s32 @!p1 $0x0  }
0x14: {  	s2 =	sld [smem:$0x3F8D];
	s0 =	simm.s32 @p1 $0x1  }
0x15: {  	[smem:$0x3FAA] =	sst s0;
	s0 =	simm.s32 @!p2 $0x0  }
0x16: {  	s3 =	sld [smem:$0x3FDB];
	s0 =	simm.s32 @p2 $0x1  }
0x17: {  	s4 =	simm.s32 $0x1BF5;
	[smem:$0x3FAC] =	sst s0  }
0x18: {  	s0 =	sld [smem:$0x3F8F];
	_ =	swait.ge [sflag:s4], $0x0  }
0x19: {  	s7 =	sld [smem:$0x3F90]  }
0x1a: {  	s8 =	sadd.s32 $0xFFFFE003, lr  }
0x1b: {  	s9 =	sadd.s32 $0xFFFFFEF7, lr;
	s5 =	simm.s32 $0xFFFFFFFF;
	p2 =	slt.u32 s8, $0xFFFFF086  }
0x1c: {  	p1 =	slt.u32 s9, $0xF7A;
	s5 =	simm.s32 @!p2 $0x0  }
0x1d: {  	s5 =	simm.s32 @p1 $0x1;
	p0 =	seq.s32 s7, s2  }
0x1e: {  	s7 =	smul.u32 @!p0 $0xF7A, s2;
	p2 =	seq.s32 @!p0 s5, $0x0  }
0x1f: {  	s9 =	smul.u32 $0xF7A, s1;
	s8 =	simm.s32 @!p0 $0x1BF5;
	p2 =	por !p2, p0  }
0x20: {  	[sflag:s8] =	ssyncset.s32 @!p0 $0xFFFFF086;
	s6 =	sadd.s32 @!p0 s3, s7;
	s7 =	simm.s32 @!p0 $0x108  }
0x21: {  	s3 =	sadd.s32 s3, s9;
	s6 =	sadd.s32 @!p0 $0x88, s6;
	s7 =	simm.s32 @p2 $0x1082  }
0x22: {  	[simem:s7], [sflag:s8] =	dma.local @!p0 [hbm:s6], $0xF7A  }
0x23: {  	s9 =	sor.u32 $0xD0000000, s2;
	s6 =	simm.s32 $0x108;
	_ =	swait.ge @!p0 [sflag:s8], $0x0  }
0x24: {  	s3 =	sadd.s32 $0x88, s3;
	s6 =	simm.s32 @!p1 $0x1082;
	[sflag:s4] =	ssyncset.s32 $0xFFFFF086  }
0x25: {  	[simem:s6], [sflag:s4] =	dma.local [hbm:s3], $0xF7A  }
0x26: {  	[smem:$0x3F90] =	sst s1;
	(tag) =	ssettag s2;
	_ =	strace s9  }
0x27: {  	s1 =	sld [smem:$0x3FA0]  }
0x28: {  	s2 =	sld [smem:$0x3FA1]  }
0x29: {  	s4 =	sld [smem:$0x3FA3]  }
0x2a: {  	p0 =	seq.s32 s5, $0x0;
	s5 =	sld [smem:$0x3FA4]  }
0x2b: {  	s6 =	sld [smem:$0x3FA5]  }
0x2c: {  	s7 =	sld [smem:$0x3FA6]  }
0x2d: {  	s3 =	simm.s32 $0x108;
	s8 =	sld [smem:$0x3FA7]  }
0x2e: {  	s3 =	simm.s32 @!p0 $0x1082;
	s9 =	sld [smem:$0x3FA8]  }
0x2f: {  	lr =	sadd.s32 s0, s3;
	s0 =	sld [smem:$0x3F9F]  }
0x30: {  	s3 =	sld [smem:$0x3FA2]  }
0x31: {  	[smem:$0x3FAB] =	sst s10  }
0x32: {  	s10 =	sld [smem:$0x3FA9];
	_ =	sdelay $0x3  }
0x33: {  	p0 =	seq.s32 s10, $0x1;
	s10 =	sld [smem:$0x3FAB];
	_ =	sdelay $0x3  }
0x34: {  	[smem:$0x3FAB] =	sst s10  }
0x35: {  	s10 =	sld [smem:$0x3FAA];
	_ =	sdelay $0x3  }
0x36: {  	p1 =	seq.s32 s10, $0x1;
	s10 =	sld [smem:$0x3FAB];
	_ =	sdelay $0x3  }
0x37: {  	[smem:$0x3FAB] =	sst s10  }
0x38: {  	s10 =	sld [smem:$0x3FAC]  }
0x39: {  	_ = 	snop;
	(pc) =	sbr.ind lr, $3  }
0x3a: {  	_ = 	snop  }
0x3b: {  	_ = 	snop  }
0x3c: {  	p2 =	seq.s32 s10, $0x1;
	s10 =	sld [smem:$0x3FAB]  }
0x3d: {  	_ =	shalt  }
0x3e: {  	_ =	shalt  }
0x3f: {  	_ =	shalt  }
0x40: {  	_ =	shalt  }
0x41: {  	_ =	shalt  }
0x42: {  	_ =	shalt  }
0x43: {  	_ =	shalt  }
0x44: {  	_ =	shalt  }
0x45: {  	_ =	shalt  }
0x46: {  	_ =	shalt  }
0x47: {  	_ =	shalt  }
0x48: {  	_ =	shalt  }
0x49: {  	_ =	shalt  }
0x4a: {  	_ =	shalt  }
0x4b: {  	_ =	shalt  }
0x4c: {  	_ =	shalt  }
0x4d: {  	_ =	shalt  }
0x4e: {  	_ =	shalt  }
0x4f: {  	_ =	shalt  }
0x50: {  	_ =	shalt  }
0x51: {  	_ =	shalt  }
0x52: {  	_ =	shalt  }
0x53: {  	_ =	shalt  }
0x54: {  	_ =	shalt  }
0x55: {  	_ =	shalt  }
0x56: {  	_ =	shalt  }
0x57: {  	_ =	shalt  }
0x58: {  	_ =	shalt  }
0x59: {  	_ =	shalt  }
0x5a: {  	_ =	shalt  }
0x5b: {  	_ =	shalt  }
0x5c: {  	_ =	shalt  }
0x5d: {  	_ =	shalt  }
0x5e: {  	_ =	shalt  }
0x5f: {  	_ =	shalt  }
0x60: {  	_ =	shalt  }
0x61: {  	_ =	shalt  }
0x62: {  	_ =	shalt  }
0x63: {  	_ =	shalt  }
0x64: {  	_ =	shalt  }
0x65: {  	_ =	shalt  }
0x66: {  	_ =	shalt  }
0x67: {  	_ =	shalt  }
0x68: {  	_ =	shalt  }
0x69: {  	_ =	shalt  }
0x6a: {  	_ =	shalt  }
0x6b: {  	_ =	shalt  }
0x6c: {  	_ =	shalt  }
0x6d: {  	_ =	shalt  }
0x6e: {  	_ =	shalt  }
0x6f: {  	_ =	shalt  }
0x70: {  	_ =	shalt  }
0x71: {  	_ =	shalt  }
0x72: {  	_ =	shalt  }
0x73: {  	_ =	shalt  }
0x74: {  	_ =	shalt  }
0x75: {  	_ =	shalt  }
0x76: {  	_ =	shalt  }
0x77: {  	_ =	shalt  }
0x78: {  	_ =	shalt  }
0x79: {  	_ =	shalt  }
0x7a: {  	_ =	shalt  }
0x7b: {  	_ =	shalt  }
0x7c: {  	_ =	shalt  }
0x7d: {  	_ =	shalt  }
0x7e: {  	_ =	shalt  }
0x7f: {  	_ =	shalt  }
0x80: {  	_ =	shalt  }
0x81: {  	_ =	shalt  }
0x82: {  	_ =	shalt  }
0x83: {  	_ =	shalt  }
0x84: {  	_ =	shalt  }
0x85: {  	_ =	shalt  }
0x86: {  	_ =	shalt  }
0x87: {  	_ =	shalt  }
.Lfunc_end0:
.L_simem_size_0:
called_computation_lowered:
.L_overlay_start_0:
0x88: {  	s2 =	sld [smem:$0x3FD9]  }
0x89: {  	s3 =	sld [smem:$0x3FFE];
	_ =	sdelay $0x1  }
0x8a: {  	s1 =	srdreg.scid  }
0x8b: {  	s0 =	sand.u32 $0x1, s1  }
0x8c: {  	s16 =	sshll.u32 s0, $0xA;
	s2 =	sadd.s32 s3, s2  }
0x8d: {  	s2 =	sadd.s32 s2, s16  }
0x8e: {  	[smem:$0x3FB7] =	sst s2  }
0x8f: {  	_ = 	snop  }
0x90: {  	(tm) =	ssettm $0x1  }
0x91: {  	s17 =	sld [smem:$0x3FFB];
	_ =	sdelay $0x3  }
0x92: {  	_ =	strace s17  }
0x93: {  	s2 =	sld [smem:$0x3FFC];
	_ =	sdelay $0x3  }
0x94: {  	_ =	strace s2  }
0x95: {  	s2 =	sld [smem:$0x3FFD];
	_ =	sdelay $0x3  }
0x96: {  	_ =	strace s2  }
0x97: {  	_ =	strace $0x8FFFFFFF  }
0x98: {  	s18 =	sld [smem:$0x3FDB];
	_ =	sdelay $0x1  }
0x99: {  	s19 =	simm.s32 $_scs_section_size  }
0x9a: {  	s4 =	simm.s32 $_size__tile_overlayer_lowered;
	s5 =	simm.s32 $_tile_overlayer_lowered  }
0x9b: {  	s22 =	simm.s32 $0x1BFF;
	s21 =	sshll.u32 s5, $0x1;
	s2 =	sadd.s32 s19, s18  }
0x9c: {  	s6 =	simm.s32 $0x0;
	s20 =	sshll.u32 s4, $0x1;
	s4 =	sadd.s32 s21, s2  }
0x9d: {  	[timem:s6], [sflag:s22] =	dma.local [hbm:s4], s20  }
0x9e: {  	_ =	swait.ge [sflag:s22], s20  }
0x9f: {  	s3 =	ssub.s32 $0x0, s20;
	[sflag:s22] =	ssyncset.done $0x0  }
0xa0: {  	[sflag:s22] =	ssyncadd.s32 s3;
	_ =	sdelay $0x1  }
0xa1: {  	s23 =	simm.s32 $0x1B8B  }
0xa2: {  	_ =	swait.ge [sflag:s23], $0x1  }
0xa3: {  	[sflag:s23] =	ssyncset.done $0x0  }
0xa4: {  	s25 =	simm.s32 $0x1B8E;
	s24 =	sld [smem:$0x3FFE];
	[sflag:s23] =	ssyncadd.s32 $0xFFFFFFFF  }
0xa5: {  	s26 =	simm.s32 $execute0_lowered;
	[smem:$0x3FD2] =	sst s25  }
0xa6: {  	s4 =	sshll.u32 s26, $0x1;
	_ =	strace $0x80000046;
	[dreg:$0x1] =	wrdreg $0xFFFFFFFF  }
0xa7: {  	s28 =	simm.s32 $_size_execute0_lowered;
	s2 =	sadd.s32 s2, s4;
	[dreg:$0x0] =	wrdreg $0x0  }
0xa8: {  	s4 =	sshll.u32 s28, $0x1;
	[dreg:$0x2] =	wrdreg s2  }
0xa9: {  	[dreg:$0x3] =	wrdreg s4  }
0xaa: {  	[dreg:$0x4] =	wrdreg $0xC0  }
0xab: {  	_ =	task [dreg:s6], $0x5FFFF  }
0xac: {  	[dreg:$0x1] =	wrdreg $0xFFFFFFFF  }
0xad: {  	[dreg:$0x0] =	wrdreg $0x60  }
0xae: {  	[dreg:$0x2] =	wrdreg s24  }
0xaf: {  	[dreg:$0x3] =	wrdreg $0x26000  }
0xb0: {  	[dreg:$0x4] =	wrdreg $0x9  }
0xb1: {  	_ =	task.clear_ibuf [dreg:s6], $0x5FFFF;
	_ =	strace $0x90000046  }
0xb2: {  	s29 =	simm.s32 $0x9;
	_ =	strace $0x80000048  }
0xb3: {  	_ =	swait.ge [sflag:s29], $0x1  }
0xb4: {  	[sflag:s29] =	ssyncadd.s32 $0xFFFFFFFF  }
0xb5: {  	_ =	strace $0x90000048  }
0xb6: {  	_ =	sfence  }
0xb7: {  	s30 =	sld [smem:$0x0];
	_ =	sdelay $0x2  }
0xb8: {  	s31 =	sshll.u32 s1, $0xD;
	s1 =	sshrl.u32 s1, $0x2  }
0xb9: {  	s3 =	sand.u32 $0x4000, s31;
	s1 =	sadd.s32 s1, s30  }
0xba: {  	s0 =	sor.u32 s3, s0;
	s1 =	sshll.u32 s1, $0x11  }
0xbb: {  	s0 =	sor.u32 s1, s0  }
0xbc: {  	s0 =	sadd.s32 $0x8F2B, s0  }
0xbd: {  	[sflag:s0] =	ssyncadd.remote.s32 $0x1  }
0xbe: {  	_ =	sfence.sel $0xFFFF  }
0xbf: {  	[dreg:$0x0] =	wrdreg $0xFFFFFFFF;
	(pc) =	sbr.abs _section_cstart, $3  }
0xc0: {  	[dreg:$0x1] =	wrdreg $0xFFFFFFFF  }
0xc1: {  	_ =	task.clear_ibuf [dreg:s6], $0x2FFFF;
	_ =	strace $0x9FFFFFFF  }
0xc2: {  	(tm) =	ssettm $0x7FFFFFFF  }
0xc3: {  	_ =	shalt  }
tec
execute0_lowered:
.L_overlay_start_1:
0x0: {  	(tag) =	ssettag $0x1  }
0x1: {  	s0 =	rddreg [dreg:$0x0];
	s1 =	srdreg.scid  }
0x2: {  	s2 =	rddreg [dreg:$0x1];
	s5 =	stileid.u32;
	s15 =	simm.s32 $0x0  }
0x3: {  	s12 =	simm.s32 $0x80;
	s1 =	sand.u32 $0x1, s1;
	s4 =	smul.u32 $0x1880, s5  }
0x4: {  	s13 =	simm.s32 $0xD00;
	s14 =	simm.s32 $0x0;
	s3 =	smul.u32 $0xD000, s1  }
0x5: {  	[smem:$0x7FF] =	sst s15;
	s6 =	smul.u32 $0x13E800, s1;
	s1 =	ssub.s32 $0x2, s1  }
0x6: {  	s5 =	sshll.u32 s5, $0x8;
	_ =	strace $0x80000047;
	s20 =	sshrl.u32 s1, $0x1  }
0x7: {  	s3 =	sor.u32 s5, s3;
	s19 =	sadd.s32 s4, s6;
	s1 =	ssub.s32 s1, s20  }
0x8: {  	s4 =	sadd.s32 s4, s2;
	s3 =	sshrl.u32 s3, $0x3;
	s5 =	sshrl.u32 s19, $0x3  }
0x9: {  	s6 =	sadd.s32 $0x18800, s4;
	s7 =	sadd.s32 $0x31000, s4;
	s8 =	sadd.s32 $0x49800, s4  }
0xa: {  	s9 =	sadd.s32 $0x62000, s4;
	s10 =	sadd.s32 $0x7A800, s4;
	s3 =	sadd.s32 s3, s0  }
0xb: {  	s11 =	sadd.s32 $0x93000, s4;
	s0 =	sadd.s32 s5, s0;
	s3 =	sadd.s32 $0x2800, s3  }
0xc: {  	s28 =	sadd.s32 $0xC4000, s4;
	s21 =	sadd.s32 $0x5C00, s0;
	[dreg:$0x3] =	wrdreg s3  }
0xd: {  	s29 =	sadd.s32 $0xDC800, s4;
	s22 =	sadd.s32 $0x8D00, s0;
	[dreg:$0x4] =	wrdreg s21  }
0xe: {  	s30 =	sadd.s32 $0xF5000, s4;
	s23 =	sadd.s32 $0xBE00, s0;
	[dreg:$0x5] =	wrdreg s22  }
0xf: {  	s31 =	sadd.s32 $0x10D800, s4;
	s24 =	sadd.s32 $0xEF00, s0;
	[dreg:$0x6] =	wrdreg s23  }
0x10: {  	s5 =	simm.s32 $0x1;
	s25 =	sadd.s32 $0x12000, s0;
	[dreg:$0x7] =	wrdreg s24  }
0x11: {  	s26 =	sadd.s32 $0x15100, s0;
	s18 =	sadd.s32 $0x18200, s0;
	[dreg:$0x8] =	wrdreg s25  }
0x12: {  	s19 =	sadd.s32 $0x1B300, s0;
	s20 =	sadd.s32 $0x1E400, s0;
	[dreg:$0x9] =	wrdreg s26  }
0x13: {  	s21 =	sadd.s32 $0x21500, s0;
	s22 =	sadd.s32 $0x24600, s0;
	s23 =	sadd.s32 $0x27700, s0  }
0x14: {  	s24 =	sadd.s32 $0x2A800, s0;
	s25 =	smax.u32 s1, $0x1;
	s26 =	sadd.s32 $0xAB800, s4  }
0x15: {  	v0 =	vimm.f32 $0.0e+00;
	v1 =	vimm.f32 $1.000000000e+00;
	s0 =	sadd.s32 $0x126000, s4;
	s1 =	simm.s32 $0x100;
	s3 =	simm.s32 $0xD80  }
.LBB2_1:
0x16: {  	s16 =	rddreg [dreg:$0x3];
	s17 =	simm.s32 $0x1000  }
0x17: {  	[tilespmem:s15], [sflag:$0x1] =	stream.strided.gather [hbm4b:s16+s1], $0xD00, s17, s1, $0x38;
	[tilespmem:$0x16480] =	vst v63  }
0x18: {  	s15 =	simm.s32 $0x40;
	s16 =	simm.s32 $0x0  }
.LBB2_2:
0x19: {  	p0 =	sne.s32 s15, $0x61C0;
	[tilespmem:s16+$0xD80] =	vst v0;
	s16 =	smov.u32 s15;
	s15 =	sadd.s32 $0x40, s15  }
.Ltmp0:
0x1a: {  	(pc) =	sbr.rel @p0 .LBB2_2-.Ltmp0, $2  }
0x1b: {  	_ =	sdelay $0x2  }
0x1c: {  	s16 =	sshra.s32 s16, $0x2  }
0x1d: {  	[tilespmem:s16+$0xD80] =	vst v0  }
0x1e: {  	[tilespmem:$0xD00] =	vst v1  }
0x1f: {  	[tilespmem:$0xD10] =	vst v1  }
0x20: {  	[tilespmem:$0xD20] =	vst v1  }
0x21: {  	[tilespmem:$0xD30] =	vst v1  }
0x22: {  	[tilespmem:$0xD40] =	vst v1  }
0x23: {  	[tilespmem:$0xD50] =	vst v1  }
0x24: {  	[tilespmem:$0xD60] =	vst v1  }
0x25: {  	[tilespmem:$0xD70] =	vst v1  }
0x26: {  	[spmem:s4] =	stream.linear.scatter [tilespmem:s3], [sflag:$0x1], $0x1880, $0x38;
	[tilespmem:$0x16480] =	vst v63  }
0x27: {  	_ = 	snop  }
0x28: {  	[spmem:s6] =	stream.linear.scatter [tilespmem:s3], [sflag:$0x1], $0x1880, $0x38;
	[tilespmem:$0x16480] =	vst v63  }
0x29: {  	_ = 	snop  }
0x2a: {  	[spmem:s7] =	stream.linear.scatter [tilespmem:s3], [sflag:$0x1], $0x1880, $0x38;
	[tilespmem:$0x16480] =	vst v63  }
0x2b: {  	_ = 	snop  }
0x2c: {  	[spmem:s8] =	stream.linear.scatter [tilespmem:s3], [sflag:$0x1], $0x1880, $0x38;
	[tilespmem:$0x16480] =	vst v63  }
0x2d: {  	_ = 	snop  }
0x2e: {  	[spmem:s9] =	stream.linear.scatter [tilespmem:s3], [sflag:$0x1], $0x1880, $0x38;
	[tilespmem:$0x16480] =	vst v63  }
0x2f: {  	_ = 	snop  }
0x30: {  	[spmem:s10] =	stream.linear.scatter [tilespmem:s3], [sflag:$0x1], $0x1880, $0x38;
	[tilespmem:$0x16480] =	vst v63  }
0x31: {  	_ = 	snop  }
0x32: {  	[spmem:s11] =	stream.linear.scatter [tilespmem:s3], [sflag:$0x1], $0x1880, $0x38;
	[tilespmem:$0x16480] =	vst v63  }
0x33: {  	_ = 	snop  }
0x34: {  	[spmem:s26] =	stream.linear.scatter [tilespmem:s3], [sflag:$0x1], $0x1880, $0x38;
	[tilespmem:$0x16480] =	vst v63  }
0x35: {  	_ = 	snop  }
0x36: {  	[spmem:s28] =	stream.linear.scatter [tilespmem:s3], [sflag:$0x1], $0x1880, $0x38;
	[tilespmem:$0x16480] =	vst v63  }
0x37: {  	_ = 	snop  }
0x38: {  	[spmem:s29] =	stream.linear.scatter [tilespmem:s3], [sflag:$0x1], $0x1880, $0x38;
	[tilespmem:$0x16480] =	vst v63  }
0x39: {  	_ = 	snop  }
0x3a: {  	[spmem:s30] =	stream.linear.scatter [tilespmem:s3], [sflag:$0x1], $0x1880, $0x38;
	[tilespmem:$0x16480] =	vst v63  }
0x3b: {  	_ = 	snop  }
0x3c: {  	[spmem:s31] =	stream.linear.scatter [tilespmem:s3], [sflag:$0x1], $0x1880, $0x38;
	[tilespmem:$0x16480] =	vst v63  }
0x3d: {  	_ = 	snop  }
0x3e: {  	[spmem:s0] =	stream.linear.scatter [tilespmem:s3], [sflag:$0x1], $0x1880, $0x38;
	[tilespmem:$0x16480] =	vst v63  }
0x3f: {  	_ =	swait.ge [sflag:s5], $0xD00  }
0x40: {  	[sflag:s5] =	ssyncset.done $0x0  }
0x41: {  	[sflag:s5] =	ssyncadd.s32 $0xFFFFF300  }
0x42: {  	_ =	swait.ge [sflag:s5], $0x1880  }
0x43: {  	[sflag:s5] =	ssyncset.done $0x0  }
0x44: {  	[sflag:s5] =	ssyncadd.s32 $0xFFFFE780  }
0x45: {  	_ =	swait.ge [sflag:s5], $0x1880  }
0x46: {  	[sflag:s5] =	ssyncset.done $0x0  }
0x47: {  	[sflag:s5] =	ssyncadd.s32 $0xFFFFE780  }
0x48: {  	_ =	swait.ge [sflag:s5], $0x1880  }
0x49: {  	[sflag:s5] =	ssyncset.done $0x0  }
0x4a: {  	[sflag:s5] =	ssyncadd.s32 $0xFFFFE780  }
0x4b: {  	_ =	swait.ge [sflag:s5], $0x1880  }
0x4c: {  	[sflag:s5] =	ssyncset.done $0x0  }
0x4d: {  	[sflag:s5] =	ssyncadd.s32 $0xFFFFE780  }
0x4e: {  	_ =	swait.ge [sflag:s5], $0x1880  }
0x4f: {  	[sflag:s5] =	ssyncset.done $0x0  }
0x50: {  	[sflag:s5] =	ssyncadd.s32 $0xFFFFE780  }
0x51: {  	_ =	swait.ge [sflag:s5], $0x1880  }
0x52: {  	[sflag:s5] =	ssyncset.done $0x0  }
0x53: {  	[sflag:s5] =	ssyncadd.s32 $0xFFFFE780  }
0x54: {  	_ =	swait.ge [sflag:s5], $0x1880  }
0x55: {  	[sflag:s5] =	ssyncset.done $0x0  }
0x56: {  	[sflag:s5] =	ssyncadd.s32 $0xFFFFE780  }
0x57: {  	_ =	swait.ge [sflag:s5], $0x1880  }
0x58: {  	[sflag:s5] =	ssyncset.done $0x0  }
0x59: {  	[sflag:s5] =	ssyncadd.s32 $0xFFFFE780  }
0x5a: {  	_ =	swait.ge [sflag:s5], $0x1880  }
0x5b: {  	[sflag:s5] =	ssyncset.done $0x0  }
0x5c: {  	[sflag:s5] =	ssyncadd.s32 $0xFFFFE780  }
0x5d: {  	_ =	swait.ge [sflag:s5], $0x1880  }
0x5e: {  	[sflag:s5] =	ssyncset.done $0x0  }
0x5f: {  	[sflag:s5] =	ssyncadd.s32 $0xFFFFE780  }
0x60: {  	_ =	swait.ge [sflag:s5], $0x1880  }
0x61: {  	[sflag:s5] =	ssyncset.done $0x0  }
0x62: {  	[sflag:s5] =	ssyncadd.s32 $0xFFFFE780  }
0x63: {  	_ =	swait.ge [sflag:s5], $0x1880  }
0x64: {  	[sflag:s5] =	ssyncset.done $0x0  }
0x65: {  	[sflag:s5] =	ssyncadd.s32 $0xFFFFE780  }
0x66: {  	_ =	swait.ge [sflag:s5], $0x1880  }
0x67: {  	[sflag:s5] =	ssyncset.done $0x0  }
0x68: {  	[sflag:s5] =	ssyncadd.s32 $0xFFFFE780  }
0x69: {  	s15 =	simm.s32 $0x0;
	[bflag:$0x0] =	sbarrier.arrive $0xFFFF  }
0x6a: {  	[spmem:s2] =	stream.indirect.scatter.add.f32 [tilespmem:s13], [sflag:$0x1], $0x1, s15, s12, $0xb8;
	[tilespmem:$0x16480] =	vst v63  }
0x6b: {  	_ = 	snop  }
0x6c: {  	[spmem:s2] =	stream.indirect.scatter.add.f32 [tilespmem:s13], [sflag:$0x1], $0x1, s12, s12, $0xb8;
	[tilespmem:$0x16480] =	vst v63  }
0x6d: {  	_ = 	snop  }
0x6e: {  	[spmem:s2] =	stream.indirect.scatter.add.f32 [tilespmem:s13], [sflag:$0x1], $0x1, s1, s12, $0xb8;
	[tilespmem:$0x16480] =	vst v63  }
0x6f: {  	s17 =	simm.s32 $0x180  }
0x70: {  	[spmem:s2] =	stream.indirect.scatter.add.f32 [tilespmem:s13], [sflag:$0x1], $0x1, s17, s12, $0xb8;
	[tilespmem:$0x16480] =	vst v63  }
0x71: {  	s16 =	simm.s32 $0x200  }
0x72: {  	[spmem:s2] =	stream.indirect.scatter.add.f32 [tilespmem:s13], [sflag:$0x1], $0x1, s16, s12, $0xb8;
	[tilespmem:$0x16480] =	vst v63  }
0x73: {  	s17 =	simm.s32 $0x280  }
0x74: {  	[spmem:s2] =	stream.indirect.scatter.add.f32 [tilespmem:s13], [sflag:$0x1], $0x1, s17, s12, $0xb8;
	[tilespmem:$0x16480] =	vst v63  }
0x75: {  	s16 =	simm.s32 $0x300  }
0x76: {  	[spmem:s2] =	stream.indirect.scatter.add.f32 [tilespmem:s13], [sflag:$0x1], $0x1, s16, s12, $0xb8;
	[tilespmem:$0x16480] =	vst v63  }
0x77: {  	s17 =	simm.s32 $0x380  }
0x78: {  	[spmem:s2] =	stream.indirect.scatter.add.f32 [tilespmem:s13], [sflag:$0x1], $0x1, s17, s12, $0xb8;
	[tilespmem:$0x16480] =	vst v63  }
0x79: {  	s16 =	simm.s32 $0x400  }
0x7a: {  	[spmem:s2] =	stream.indirect.scatter.add.f32 [tilespmem:s13], [sflag:$0x1], $0x1, s16, s12, $0xb8;
	[tilespmem:$0x16480] =	vst v63  }
0x7b: {  	s17 =	simm.s32 $0x480  }
0x7c: {  	[spmem:s2] =	stream.indirect.scatter.add.f32 [tilespmem:s13], [sflag:$0x1], $0x1, s17, s12, $0xb8;
	[tilespmem:$0x16480] =	vst v63  }
0x7d: {  	s16 =	simm.s32 $0x500  }
0x7e: {  	[spmem:s2] =	stream.indirect.scatter.add.f32 [tilespmem:s13], [sflag:$0x1], $0x1, s16, s12, $0xb8;
	[tilespmem:$0x16480] =	vst v63  }
0x7f: {  	s17 =	simm.s32 $0x580  }
0x80: {  	[spmem:s2] =	stream.indirect.scatter.add.f32 [tilespmem:s13], [sflag:$0x1], $0x1, s17, s12, $0xb8;
	[tilespmem:$0x16480] =	vst v63  }
0x81: {  	s16 =	simm.s32 $0x600  }
0x82: {  	[spmem:s2] =	stream.indirect.scatter.add.f32 [tilespmem:s13], [sflag:$0x1], $0x1, s16, s12, $0xb8;
	[tilespmem:$0x16480] =	vst v63  }
0x83: {  	s17 =	simm.s32 $0x680  }
0x84: {  	[spmem:s2] =	stream.indirect.scatter.add.f32 [tilespmem:s13], [sflag:$0x1], $0x1, s17, s12, $0xb8;
	[tilespmem:$0x16480] =	vst v63  }
0x85: {  	s16 =	simm.s32 $0x700  }
0x86: {  	[spmem:s2] =	stream.indirect.scatter.add.f32 [tilespmem:s13], [sflag:$0x1], $0x1, s16, s12, $0xb8;
	[tilespmem:$0x16480] =	vst v63  }
0x87: {  	s17 =	simm.s32 $0x780  }
0x88: {  	[spmem:s2] =	stream.indirect.scatter.add.f32 [tilespmem:s13], [sflag:$0x1], $0x1, s17, s12, $0xb8;
	[tilespmem:$0x16480] =	vst v63  }
0x89: {  	s16 =	simm.s32 $0x800  }
0x8a: {  	[spmem:s2] =	stream.indirect.scatter.add.f32 [tilespmem:s13], [sflag:$0x1], $0x1, s16, s12, $0xb8;
	[tilespmem:$0x16480] =	vst v63  }
0x8b: {  	s17 =	simm.s32 $0x880  }
0x8c: {  	[spmem:s2] =	stream.indirect.scatter.add.f32 [tilespmem:s13], [sflag:$0x1], $0x1, s17, s12, $0xb8;
	[tilespmem:$0x16480] =	vst v63  }
0x8d: {  	s16 =	simm.s32 $0x900  }
0x8e: {  	[spmem:s2] =	stream.indirect.scatter.add.f32 [tilespmem:s13], [sflag:$0x1], $0x1, s16, s12, $0xb8;
	[tilespmem:$0x16480] =	vst v63  }
0x8f: {  	s17 =	simm.s32 $0x980  }
0x90: {  	[spmem:s2] =	stream.indirect.scatter.add.f32 [tilespmem:s13], [sflag:$0x1], $0x1, s17, s12, $0xb8;
	[tilespmem:$0x16480] =	vst v63  }
0x91: {  	s16 =	simm.s32 $0xA00  }
0x92: {  	[spmem:s2] =	stream.indirect.scatter.add.f32 [tilespmem:s13], [sflag:$0x1], $0x1, s16, s12, $0xb8;
	[tilespmem:$0x16480] =	vst v63  }
0x93: {  	s17 =	simm.s32 $0xA80  }
0x94: {  	[spmem:s2] =	stream.indirect.scatter.add.f32 [tilespmem:s13], [sflag:$0x1], $0x1, s17, s12, $0xb8;
	[tilespmem:$0x16480] =	vst v63  }
0x95: {  	s16 =	simm.s32 $0xB00  }
0x96: {  	[spmem:s2] =	stream.indirect.scatter.add.f32 [tilespmem:s13], [sflag:$0x1], $0x1, s16, s12, $0xb8;
	[tilespmem:$0x16480] =	vst v63  }
0x97: {  	s17 =	simm.s32 $0xB80  }
0x98: {  	[spmem:s2] =	stream.indirect.scatter.add.f32 [tilespmem:s13], [sflag:$0x1], $0x1, s17, s12, $0xb8;
	[tilespmem:$0x16480] =	vst v63  }
0x99: {  	s16 =	simm.s32 $0xC00  }
0x9a: {  	[spmem:s2] =	stream.indirect.scatter.add.f32 [tilespmem:s13], [sflag:$0x1], $0x1, s16, s12, $0xb8;
	[tilespmem:$0x16480] =	vst v63  }
0x9b: {  	s17 =	simm.s32 $0xC80  }
0x9c: {  	[spmem:s2] =	stream.indirect.scatter.add.f32 [tilespmem:s13], [sflag:$0x1], $0x1, s17, s12, $0xb8;
	[tilespmem:$0x16480] =	vst v63  }
0x9d: {  	_ =	swait.ge [sflag:s5], $0x80  }
0x9e: {  	[sflag:s5] =	ssyncset.done $0x0  }
0x9f: {  	[sflag:s5] =	ssyncadd.s32 $0xFFFFFF80  }
0xa0: {  	_ =	swait.ge [sflag:s5], $0x80  }
0xa1: {  	[sflag:s5] =	ssyncset.done $0x0  }
0xa2: {  	[sflag:s5] =	ssyncadd.s32 $0xFFFFFF80  }
0xa3: {  	_ =	swait.ge [sflag:s5], $0x80  }
0xa4: {  	[sflag:s5] =	ssyncset.done $0x0  }
0xa5: {  	[sflag:s5] =	ssyncadd.s32 $0xFFFFFF80  }
0xa6: {  	_ =	swait.ge [sflag:s5], $0x80  }
0xa7: {  	[sflag:s5] =	ssyncset.done $0x0  }
0xa8: {  	[sflag:s5] =	ssyncadd.s32 $0xFFFFFF80  }
0xa9: {  	_ =	swait.ge [sflag:s5], $0x80  }
0xaa: {  	[sflag:s5] =	ssyncset.done $0x0  }
0xab: {  	[sflag:s5] =	ssyncadd.s32 $0xFFFFFF80  }
0xac: {  	_ =	swait.ge [sflag:s5], $0x80  }
0xad: {  	[sflag:s5] =	ssyncset.done $0x0  }
0xae: {  	[sflag:s5] =	ssyncadd.s32 $0xFFFFFF80  }
0xaf: {  	_ =	swait.ge [sflag:s5], $0x80  }
0xb0: {  	[sflag:s5] =	ssyncset.done $0x0  }
0xb1: {  	[sflag:s5] =	ssyncadd.s32 $0xFFFFFF80  }
0xb2: {  	_ =	swait.ge [sflag:s5], $0x80  }
0xb3: {  	[sflag:s5] =	ssyncset.done $0x0  }
0xb4: {  	[sflag:s5] =	ssyncadd.s32 $0xFFFFFF80  }
0xb5: {  	_ =	swait.ge [sflag:s5], $0x80  }
0xb6: {  	[sflag:s5] =	ssyncset.done $0x0  }
0xb7: {  	[sflag:s5] =	ssyncadd.s32 $0xFFFFFF80  }
0xb8: {  	_ =	swait.ge [sflag:s5], $0x80  }
0xb9: {  	[sflag:s5] =	ssyncset.done $0x0  }
0xba: {  	[sflag:s5] =	ssyncadd.s32 $0xFFFFFF80  }
0xbb: {  	_ =	swait.ge [sflag:s5], $0x80  }
0xbc: {  	[sflag:s5] =	ssyncset.done $0x0  }
0xbd: {  	[sflag:s5] =	ssyncadd.s32 $0xFFFFFF80  }
0xbe: {  	_ =	swait.ge [sflag:s5], $0x80  }
0xbf: {  	[sflag:s5] =	ssyncset.done $0x0  }
0xc0: {  	[sflag:s5] =	ssyncadd.s32 $0xFFFFFF80  }
0xc1: {  	_ =	swait.ge [sflag:s5], $0x80  }
0xc2: {  	[sflag:s5] =	ssyncset.done $0x0  }
0xc3: {  	[sflag:s5] =	ssyncadd.s32 $0xFFFFFF80  }
0xc4: {  	_ =	swait.ge [sflag:s5], $0x80  }
0xc5: {  	[sflag:s5] =	ssyncset.done $0x0  }
0xc6: {  	[sflag:s5] =	ssyncadd.s32 $0xFFFFFF80  }
0xc7: {  	_ =	swait.ge [sflag:s5], $0x80  }
0xc8: {  	[sflag:s5] =	ssyncset.done $0x0  }
0xc9: {  	[sflag:s5] =	ssyncadd.s32 $0xFFFFFF80  }
0xca: {  	_ =	swait.ge [sflag:s5], $0x80  }
0xcb: {  	[sflag:s5] =	ssyncset.done $0x0  }
0xcc: {  	[sflag:s5] =	ssyncadd.s32 $0xFFFFFF80  }
0xcd: {  	_ =	swait.ge [sflag:s5], $0x80  }
0xce: {  	[sflag:s5] =	ssyncset.done $0x0  }
0xcf: {  	[sflag:s5] =	ssyncadd.s32 $0xFFFFFF80  }
0xd0: {  	_ =	swait.ge [sflag:s5], $0x80  }
0xd1: {  	[sflag:s5] =	ssyncset.done $0x0  }
0xd2: {  	[sflag:s5] =	ssyncadd.s32 $0xFFFFFF80  }
0xd3: {  	_ =	swait.ge [sflag:s5], $0x80  }
0xd4: {  	[sflag:s5] =	ssyncset.done $0x0  }
0xd5: {  	[sflag:s5] =	ssyncadd.s32 $0xFFFFFF80  }
0xd6: {  	_ =	swait.ge [sflag:s5], $0x80  }
0xd7: {  	[sflag:s5] =	ssyncset.done $0x0  }
0xd8: {  	[sflag:s5] =	ssyncadd.s32 $0xFFFFFF80  }
0xd9: {  	_ =	swait.ge [sflag:s5], $0x80  }
0xda: {  	[sflag:s5] =	ssyncset.done $0x0  }
0xdb: {  	[sflag:s5] =	ssyncadd.s32 $0xFFFFFF80  }
0xdc: {  	_ =	swait.ge [sflag:s5], $0x80  }
0xdd: {  	[sflag:s5] =	ssyncset.done $0x0  }
0xde: {  	[sflag:s5] =	ssyncadd.s32 $0xFFFFFF80  }
0xdf: {  	_ =	swait.ge [sflag:s5], $0x80  }
0xe0: {  	[sflag:s5] =	ssyncset.done $0x0  }
0xe1: {  	[sflag:s5] =	ssyncadd.s32 $0xFFFFFF80  }
0xe2: {  	_ =	swait.ge [sflag:s5], $0x80  }
0xe3: {  	[sflag:s5] =	ssyncset.done $0x0  }
0xe4: {  	[sflag:s5] =	ssyncadd.s32 $0xFFFFFF80  }
0xe5: {  	_ =	swait.ge [sflag:s5], $0x80  }
0xe6: {  	[sflag:s5] =	ssyncset.done $0x0  }
0xe7: {  	[sflag:s5] =	ssyncadd.s32 $0xFFFFFF80  }
0xe8: {  	_ =	swait.ge [sflag:s5], $0x80  }
0xe9: {  	[sflag:s5] =	ssyncset.done $0x0  }
0xea: {  	s16 =	stileid.u32;
	[sflag:s5] =	ssyncadd.s32 $0xFFFFFF80  }
0xeb: {  	s15 =	sshll.u32 s16, $0x6;
	[bflag:$0x0] =	sbarrier.arrive $0xFFFF  }
0xec: {  	s16 =	sshrl.u32 s4, $0x3;
	s15 =	sor.u32 $0x1C01, s15;
	s17 =	rddreg [dreg:$0x4]  }
0xed: {  	[hbm:s17], [sflag:s15] =	dma.local [spmem:s16], $0x310  }
0xee: {  	s16 =	sshrl.u32 s6, $0x3;
	s17 =	rddreg [dreg:$0x5]  }
0xef: {  	[hbm:s17], [sflag:s15] =	dma.local [spmem:s16], $0x310  }
0xf0: {  	s16 =	sshrl.u32 s7, $0x3;
	s17 =	rddreg [dreg:$0x6]  }
0xf1: {  	[hbm:s17], [sflag:s15] =	dma.local [spmem:s16], $0x310  }
0xf2: {  	s16 =	sshrl.u32 s8, $0x3;
	s17 =	rddreg [dreg:$0x7]  }
0xf3: {  	[hbm:s17], [sflag:s15] =	dma.local [spmem:s16], $0x310  }
0xf4: {  	s16 =	sshrl.u32 s9, $0x3;
	s17 =	rddreg [dreg:$0x8]  }
0xf5: {  	[hbm:s17], [sflag:s15] =	dma.local [spmem:s16], $0x310  }
0xf6: {  	s16 =	sshrl.u32 s10, $0x3;
	s17 =	rddreg [dreg:$0x9]  }
0xf7: {  	[hbm:s17], [sflag:s15] =	dma.local [spmem:s16], $0x310  }
0xf8: {  	s17 =	sshrl.u32 s11, $0x3  }
0xf9: {  	[hbm:s18], [sflag:s15] =	dma.local [spmem:s17], $0x310  }
0xfa: {  	s17 =	sshrl.u32 s26, $0x3  }
0xfb: {  	[hbm:s19], [sflag:s15] =	dma.local [spmem:s17], $0x310  }
0xfc: {  	s17 =	sshrl.u32 s28, $0x3  }
0xfd: {  	[hbm:s20], [sflag:s15] =	dma.local [spmem:s17], $0x310  }
0xfe: {  	s17 =	sshrl.u32 s29, $0x3  }
0xff: {  	[hbm:s21], [sflag:s15] =	dma.local [spmem:s17], $0x310  }
0x100: {  	s17 =	sshrl.u32 s30, $0x3  }
0x101: {  	[hbm:s22], [sflag:s15] =	dma.local [spmem:s17], $0x310  }
0x102: {  	s17 =	sshrl.u32 s31, $0x3  }
0x103: {  	[hbm:s23], [sflag:s15] =	dma.local [spmem:s17], $0x310  }
0x104: {  	s17 =	sshrl.u32 s0, $0x3  }
0x105: {  	[hbm:s24], [sflag:s15] =	dma.local [spmem:s17], $0x310  }
0x106: {  	_ =	swait.ge [sflag:s5], $0x310  }
0x107: {  	[sflag:s5] =	ssyncset.done $0x0  }
0x108: {  	[sflag:s5] =	ssyncadd.s32 $0xFFFFFCF0  }
0x109: {  	_ =	swait.ge [sflag:s5], $0x310  }
0x10a: {  	[sflag:s5] =	ssyncset.done $0x0  }
0x10b: {  	[sflag:s5] =	ssyncadd.s32 $0xFFFFFCF0  }
0x10c: {  	_ =	swait.ge [sflag:s5], $0x310  }
0x10d: {  	[sflag:s5] =	ssyncset.done $0x0  }
0x10e: {  	[sflag:s5] =	ssyncadd.s32 $0xFFFFFCF0  }
0x10f: {  	_ =	swait.ge [sflag:s5], $0x310  }
0x110: {  	[sflag:s5] =	ssyncset.done $0x0  }
0x111: {  	[sflag:s5] =	ssyncadd.s32 $0xFFFFFCF0  }
0x112: {  	_ =	swait.ge [sflag:s5], $0x310  }
0x113: {  	[sflag:s5] =	ssyncset.done $0x0  }
0x114: {  	[sflag:s5] =	ssyncadd.s32 $0xFFFFFCF0  }
0x115: {  	_ =	swait.ge [sflag:s5], $0x310  }
0x116: {  	[sflag:s5] =	ssyncset.done $0x0  }
0x117: {  	[sflag:s5] =	ssyncadd.s32 $0xFFFFFCF0  }
0x118: {  	_ =	swait.ge [sflag:s5], $0x310  }
0x119: {  	[sflag:s5] =	ssyncset.done $0x0  }
0x11a: {  	[sflag:s5] =	ssyncadd.s32 $0xFFFFFCF0  }
0x11b: {  	_ =	swait.ge [sflag:s5], $0x310  }
0x11c: {  	[sflag:s5] =	ssyncset.done $0x0  }
0x11d: {  	[sflag:s5] =	ssyncadd.s32 $0xFFFFFCF0  }
0x11e: {  	_ =	swait.ge [sflag:s5], $0x310  }
0x11f: {  	[sflag:s5] =	ssyncset.done $0x0  }
0x120: {  	[sflag:s5] =	ssyncadd.s32 $0xFFFFFCF0  }
0x121: {  	_ =	swait.ge [sflag:s5], $0x310  }
0x122: {  	[sflag:s5] =	ssyncset.done $0x0  }
0x123: {  	[sflag:s5] =	ssyncadd.s32 $0xFFFFFCF0  }
0x124: {  	_ =	swait.ge [sflag:s5], $0x310  }
0x125: {  	[sflag:s5] =	ssyncset.done $0x0  }
0x126: {  	s14 =	sadd.s32 $0x1, s14;
	[sflag:s5] =	ssyncadd.s32 $0xFFFFFCF0  }
0x127: {  	p0 =	sne.s32 s14, s25;
	_ =	swait.ge [sflag:s5], $0x310  }
.Ltmp1:
0x128: {  	[sflag:s5] =	ssyncset.done $0x0;
	(pc) =	sbr.rel @p0 .LBB2_1-.Ltmp1, $4  }
0x129: {  	[sflag:s5] =	ssyncadd.s32 $0xFFFFFCF0  }
0x12a: {  	_ =	swait.ge [sflag:s5], $0x310  }
0x12b: {  	[sflag:s5] =	ssyncset.done $0x0  }
0x12c: {  	s15 =	simm.s32 $0x0;
	[sflag:s5] =	ssyncadd.s32 $0xFFFFFCF0  }
0x12d: {  	_ =	sfence.sel $0x180000  }
0x12e: {  	[bflag:$0x0] =	sbarrier.arrive $0xFFFF  }
0x12f: {  	_ =	strace $0x90000047  }
0x130: {  	s0 =	stileid.u32;
	[bflag:$0x2] =	sbarrier.arrive $0xFFFF  }
0x131: {  	p0 =	sne.s32 s0, $0x0;
	s0 =	rddreg [dreg:$0x2]  }
0x132: {  	s0 =	sadd.s32 @!p0 $0x100000, s0  }
0x133: {  	[sflag:s0] =	ssyncadd.tile.s32 @!p0 $0x1;
	_ =	shalt  }
.Lfunc_end2:
_tile_overlayer_lowered:
.L_overlay_start_2:
0x134: {  	(tag) =	ssettag $0x2  }
0x135: {  	s0 =	rddreg [dreg:$0x0];
	s2 =	stileid.u32  }
0x136: {  	s1 =	rddreg [dreg:$0x1];
	p0 =	sne.s32 s2, $0x0  }
0x137: {  	s3 =	rddreg [dreg:$0x2];
	[bflag:$0x3] =	sbarrier.arrive $0xFFFF;
	s2 =	simm.s32 @!p0 $0x1C02  }
0x138: {  	[timem:s3], [sflag:s2] =	dma.local @!p0 [hbm:s0], s1  }
0x139: {  	s0 =	simm.s32 @!p0 $0x2  }
0x13a: {  	_ =	swait.ge @!p0 [sflag:s0], s1  }
0x13b: {  	s1 =	ssub.s32 @!p0 $0x0, s1;
	[sflag:s0] =	ssyncset.done @!p0 $0x0  }
0x13c: {  	[sflag:s0] =	ssyncadd.s32 @!p0 s1  }
0x13d: {  	[bflag:$0x3] =	sbarrier.arrive $0xFFFF  }
0x13e: {  	_ =	shalt  }

</sc_bundles>
